<compile_context>
chip_gen: v7x
topology: tpu7x:2x2x1
jax: 0.10.2.dev20260603
libtpu: 0.0.44.dev20260713+nightly
codegen_flags: <defaults>
</compile_context>

<pallas_src>
import functools

import jax
import jax.numpy as jnp
from jax import lax
from jax.experimental import pallas as pl
from jax.experimental.pallas import tpu as pltpu
from jax.experimental.pallas import tpu_sc as plsc

_N = 10000
_E = 320000
_D = 128

_NC = 2
_NS = 16
_NW = _NC * _NS
_EPW = _E // _NW
_CHUNK = 80
_NCHUNK = _EPW // _CHUNK
_QUADS = (_NCHUNK - 5) // 4
_NPAD = 10240
_RPS = _NPAD // _NS


def _sc_aggregate(x, src, dst):
    mesh = plsc.VectorSubcoreMesh(core_axis_name="c", subcore_axis_name="s")

    @functools.partial(
        pl.kernel,
        mesh=mesh,
        out_type=jax.ShapeDtypeStruct((2, _NPAD, _D), jnp.float32),
        scratch_types=[
            pltpu.VMEM((_CHUNK,), jnp.int32),
            pltpu.VMEM((_CHUNK,), jnp.int32),
            pltpu.VMEM((_CHUNK,), jnp.int32),
            pltpu.VMEM((_CHUNK,), jnp.int32),
            pltpu.VMEM((_CHUNK,), jnp.int32),
            pltpu.VMEM((_CHUNK,), jnp.int32),
            pltpu.VMEM((_CHUNK,), jnp.int32),
            pltpu.VMEM((_CHUNK,), jnp.int32),
            pltpu.VMEM((_CHUNK, _D), jnp.float32),
            pltpu.VMEM((_CHUNK, _D), jnp.float32),
            pltpu.VMEM((_CHUNK, _D), jnp.float32),
            pltpu.VMEM((_CHUNK, _D), jnp.float32),
            pltpu.VMEM_SHARED((_NPAD, _D), jnp.float32),
            pltpu.SemaphoreType.DMA,
            pltpu.SemaphoreType.DMA,
            pltpu.SemaphoreType.DMA,
            pltpu.SemaphoreType.DMA,
            pltpu.SemaphoreType.DMA,
            pltpu.SemaphoreType.DMA,
            pltpu.SemaphoreType.DMA,
            pltpu.SemaphoreType.DMA,
            pltpu.SemaphoreType.DMA,
            pltpu.SemaphoreType.DMA,
            pltpu.SemaphoreType.DMA,
            pltpu.SemaphoreType.DMA,
        ],
    )
    def agg(x_hbm, src_hbm, dst_hbm, out_hbm, srcA, srcB, srcC, srcD,
            dstA, dstB, dstC, dstD, rows0, rows1, rows2, rows3, acc_s,
            semg0, semg1, semg2, semg3, semsc0, semsc1, semsc2, semsc3,
            semiA, semiB, semiC, semiD):
        c = lax.axis_index("c")
        s = lax.axis_index("s")
        wid = c * _NS + s
        ebase = wid * _EPW

        def start_idx(j, sbuf, dbuf, sem):
            pltpu.async_copy(src_hbm.at[pl.ds(ebase + j * _CHUNK, _CHUNK)], sbuf, sem)
            pltpu.async_copy(dst_hbm.at[pl.ds(ebase + j * _CHUNK, _CHUNK)], dbuf, sem)

        def wait_idx(sbuf, dbuf, sem):
            pltpu.make_async_copy(src_hbm.at[pl.ds(0, _CHUNK)], sbuf, sem).wait()
            pltpu.make_async_copy(src_hbm.at[pl.ds(0, _CHUNK)], dbuf, sem).wait()

        def start_g(sbuf, buf, sem):
            pltpu.async_copy(x_hbm.at[sbuf], buf, sem)

        def wait_g(buf, sem):
            pltpu.make_async_copy(x_hbm.at[pl.ds(0, _CHUNK)], buf, sem).wait()

        def start_scat(dbuf, buf, sem):
            pltpu.async_copy(buf, acc_s.at[dbuf], sem, add=True)

        def wait_scat(buf, sem):
            pltpu.make_async_copy(buf, acc_s.at[pl.ds(0, _CHUNK)], sem).wait()

        sets = ((srcA, dstA, semiA), (srcB, dstB, semiB),
                (srcC, dstC, semiC), (srcD, dstD, semiD))
        rows = (rows0, rows1, rows2, rows3)
        semg = (semg0, semg1, semg2, semg3)
        semsc = (semsc0, semsc1, semsc2, semsc3)

        for k in range(4):
            start_idx(k, *sets[k])

        def zstore(i, carry):
            rows0[i // (_D // 16), pl.ds((i % (_D // 16)) * 16, 16)] = jnp.zeros(
                (16,), jnp.float32)
            return carry

        lax.fori_loop(0, _CHUNK * (_D // 16), zstore, None)

        def zcopy(j, carry):
            pltpu.sync_copy(rows0, acc_s.at[pl.ds(s * _RPS + j * _CHUNK, _CHUNK)])
            return carry

        lax.fori_loop(0, _RPS // _CHUNK, zcopy, None)

        wait_idx(*sets[0])
        start_g(srcA, rows0, semg0)
        plsc.subcore_barrier()

        for j in (0, 1):
            p, pn = j % 4, (j + 1) % 4
            wait_idx(*sets[pn])
            start_g(sets[pn][0], rows[pn], semg[pn])
            wait_g(rows[p], semg[p])
            start_scat(sets[p][1], rows[p], semsc[p])

        def quad(i, carry):
            j0 = 4 * i + 2
            for k in range(4):
                p = (2 + k) % 4
                pn = (3 + k) % 4
                pm = k
                wait_idx(*sets[pn])
                start_g(sets[pn][0], rows[pn], semg[pn])
                wait_g(rows[p], semg[p])
                start_scat(sets[p][1], rows[p], semsc[p])
                wait_scat(rows[pm], semsc[pm])
                start_idx(j0 + k + 2, sets[pm][0], sets[pm][1], sets[pm][2])
            return carry

        lax.fori_loop(0, _QUADS, quad, None)

        j = 122
        p, pn, pm = j % 4, (j + 1) % 4, (j + 2) % 4
        wait_idx(*sets[pn])
        start_g(sets[pn][0], rows[pn], semg[pn])
        wait_g(rows[p], semg[p])
        start_scat(sets[p][1], rows[p], semsc[p])
        wait_scat(rows[pm], semsc[pm])
        start_idx(124, sets[pm][0], sets[pm][1], sets[pm][2])
        j = 123
        p, pn, pm = j % 4, (j + 1) % 4, (j + 2) % 4
        wait_idx(*sets[pn])
        start_g(sets[pn][0], rows[pn], semg[pn])
        wait_g(rows[p], semg[p])
        start_scat(sets[p][1], rows[p], semsc[p])
        wait_scat(rows[pm], semsc[pm])
        wait_g(rows[0], semg[0])
        start_scat(sets[0][1], rows[0], semsc[0])
        wait_scat(rows[2], semsc[2])
        wait_scat(rows[3], semsc[3])
        wait_scat(rows[0], semsc[0])
        plsc.subcore_barrier()

        pltpu.sync_copy(
            acc_s.at[pl.ds(s * _RPS, _RPS)],
            out_hbm.at[c, pl.ds(s * _RPS, _RPS)],
        )

    return agg(x, src, dst)


def _tc_combine(partials, W, b2):
    bn = 10000
    grid = (_N // bn,)

    def body(p0_ref, p1_ref, w_ref, b_ref, o_ref):
        a = p0_ref[0] + p1_ref[0]
        h = lax.dot_general(a, w_ref[...], (((1,), (1,)), ((), ())),
                            preferred_element_type=jnp.float32)
        o_ref[...] = h + b_ref[...]

    return pl.pallas_call(
        body,
        grid=grid,
        in_specs=[
            pl.BlockSpec((1, bn, _D), lambda i: (0, i, 0)),
            pl.BlockSpec((1, bn, _D), lambda i: (1, i, 0)),
            pl.BlockSpec((_D, _D), lambda i: (0, 0)),
            pl.BlockSpec((1, _D), lambda i: (0, 0)),
        ],
        out_specs=pl.BlockSpec((bn, _D), lambda i: (i, 0)),
        out_shape=jax.ShapeDtypeStruct((_N, _D), jnp.float32),
    )(partials, partials, W, b2)


@jax.jit
def kernel(x, edge_index, W, b):
    src = edge_index[0]
    dst = edge_index[1]
    partials = _sc_aggregate(x, src, dst)
    out = _tc_combine(partials, W, b.reshape(1, _D))
    return (out,)

# --- scband reference (transcript-rebuilt; emitter-appended) ---
"""Pipeline reference for scband-gcn-model-29051158790849 (READ-ONLY COPY).

The authoritative reference and input builder live on the scoring server;
editing this copy changes nothing except your own understanding.
"""

import jax, jax.numpy as jnp
import numpy as np

N = 10000
E = 320000
D_IN = 128
D_OUT = 128


def setup_inputs(seed: int = 0) -> dict:
    key = jax.random.key(seed)
    k1, k2, k3, k4 = jax.random.split(key, 4)
    x = jax.random.normal(k1, (N, D_IN), dtype=jnp.float32)
    edge_index = jax.random.randint(k2, (2, E), 0, N, dtype=jnp.int32)
    # GCNConv linear weight (PyG Linear: out = x @ W.T), glorot-ish init
    W = jax.random.normal(k3, (D_OUT, D_IN), dtype=jnp.float32) / jnp.sqrt(D_IN)
    # GCNConv bias
    b = jax.random.normal(k4, (D_OUT,), dtype=jnp.float32) * 0.01
    return {"x": x, "edge_index": edge_index, "W": W, "b": b}


def reference(x, edge_index, W, b):
    # GCN_Model with layer_count=1: single GCNConv(in, out, normalize=False).
    # With normalize=False, PyG sets add_self_loops=False and edge_weight=None,
    # so the layer computes: out = scatter_add_{dst}( (x @ W.T)[src] ) + b
    h = x @ W.T
    src = edge_index[0]
    dst = edge_index[1]
    msgs = jnp.take(h, src, axis=0)
    out = jax.ops.segment_sum(msgs, dst, num_segments=x.shape[0])
    out = out + b
    # forward returns a list of per-layer outputs; one layer here -> tuple of 1
    return (out,)

if __name__ == "__main__":
    import jax
    _d = setup_inputs()
    print(jax.jit(kernel)(*tuple(_d.values())))

</pallas_src>

<mosaic_0001>
#map = affine_map<(d0, d1) -> (0, 0)>
#map1 = affine_map<(d0, d1) -> (0)>
#map2 = affine_map<(d0, d1) -> (0, 0, 0)>
module attributes {stable_mosaic.version = 14 : i64} {
  func.func @agg(%arg0: i32, %arg1: i32, %arg2: memref<10000x128xf32, #tpu.memory_space<hbm>>, %arg3: memref<320000xi32, #tpu.memory_space<hbm>>, %arg4: memref<320000xi32, #tpu.memory_space<hbm>>, %arg5: memref<2x10240x128xf32, #tpu.memory_space<hbm>>, %arg6: memref<80xi32, #tpu.memory_space<vmem>>, %arg7: memref<80xi32, #tpu.memory_space<vmem>>, %arg8: memref<80xi32, #tpu.memory_space<vmem>>, %arg9: memref<80xi32, #tpu.memory_space<vmem>>, %arg10: memref<80xi32, #tpu.memory_space<vmem>>, %arg11: memref<80xi32, #tpu.memory_space<vmem>>, %arg12: memref<80xi32, #tpu.memory_space<vmem>>, %arg13: memref<80xi32, #tpu.memory_space<vmem>>, %arg14: memref<80x128xf32, #tpu.memory_space<vmem>>, %arg15: memref<80x128xf32, #tpu.memory_space<vmem>>, %arg16: memref<80x128xf32, #tpu.memory_space<vmem>>, %arg17: memref<80x128xf32, #tpu.memory_space<vmem>>, %arg18: memref<10240x128xf32, #tpu.memory_space<vmem_shared>>, %arg19: memref<!tpu.dma_semaphore, #tpu.memory_space<semaphore_mem>>, %arg20: memref<!tpu.dma_semaphore, #tpu.memory_space<semaphore_mem>>, %arg21: memref<!tpu.dma_semaphore, #tpu.memory_space<semaphore_mem>>, %arg22: memref<!tpu.dma_semaphore, #tpu.memory_space<semaphore_mem>>, %arg23: memref<!tpu.dma_semaphore, #tpu.memory_space<semaphore_mem>>, %arg24: memref<!tpu.dma_semaphore, #tpu.memory_space<semaphore_mem>>, %arg25: memref<!tpu.dma_semaphore, #tpu.memory_space<semaphore_mem>>, %arg26: memref<!tpu.dma_semaphore, #tpu.memory_space<semaphore_mem>>, %arg27: memref<!tpu.dma_semaphore, #tpu.memory_space<semaphore_mem>>, %arg28: memref<!tpu.dma_semaphore, #tpu.memory_space<semaphore_mem>>, %arg29: memref<!tpu.dma_semaphore, #tpu.memory_space<semaphore_mem>>, %arg30: memref<!tpu.dma_semaphore, #tpu.memory_space<semaphore_mem>>) attributes {dimension_semantics = [#tpu.dimension_semantics<core_parallel>, #tpu.dimension_semantics<subcore_parallel>], iteration_bounds = array<i64: 2, 16>, scalar_prefetch = 0 : i64, scratch_operands = 25 : i64, tpu.core_type = #tpu.core_type<sc_vector_subcore>, window_params = [{transform_indices = #map}, {transform_indices = #map1}, {transform_indices = #map1}, {transform_indices = #map2}]} {
    %mul3A = arith.constant 16 : i32
    %mul3A_0 = arith.muli %arg0, %mul3A : i32
    %add3A = arith.addi %mul3A_0, %arg1 : i32
    %mul3A_1 = arith.constant 10000 : i32
    %mul3A_2 = arith.muli %add3A, %mul3A_1 : i32
    %add3A_3 = arith.constant 0 : i32
    %add3A_4 = arith.addi %mul3A_2, %add3A_3 : i32
    %dma_start3A = tpu.memref_slice %arg3[%add3A_4] : memref<320000xi32, #tpu.memory_space<hbm>> -> memref<80xi32, #tpu.memory_space<hbm>>
    %dma_start3A_5 = tpu.memref_slice %arg3[%add3A_4] : memref<320000xi32, #tpu.memory_space<hbm>> -> memref<80xi32, #tpu.memory_space<hbm>>
    tpu.enqueue_dma source(%dma_start3A_5 : memref<80xi32, #tpu.memory_space<hbm>>) target(%arg6 : memref<80xi32, #tpu.memory_space<vmem>>) target_semaphore(%arg27 : memref<!tpu.dma_semaphore, #tpu.memory_space<semaphore_mem>>)
    %add3A_6 = arith.constant 0 : i32
    %add3A_7 = arith.addi %mul3A_2, %add3A_6 : i32
    %dma_start3A_8 = tpu.memref_slice %arg4[%add3A_7] : memref<320000xi32, #tpu.memory_space<hbm>> -> memref<80xi32, #tpu.memory_space<hbm>>
    %dma_start3A_9 = tpu.memref_slice %arg4[%add3A_7] : memref<320000xi32, #tpu.memory_space<hbm>> -> memref<80xi32, #tpu.memory_space<hbm>>
    tpu.enqueue_dma source(%dma_start3A_9 : memref<80xi32, #tpu.memory_space<hbm>>) target(%arg10 : memref<80xi32, #tpu.memory_space<vmem>>) target_semaphore(%arg27 : memref<!tpu.dma_semaphore, #tpu.memory_space<semaphore_mem>>)
    %add3A_10 = arith.constant 80 : i32
    %add3A_11 = arith.addi %mul3A_2, %add3A_10 : i32
    %dma_start3A_12 = tpu.memref_slice %arg3[%add3A_11] : memref<320000xi32, #tpu.memory_space<hbm>> -> memref<80xi32, #tpu.memory_space<hbm>>
    %dma_start3A_13 = tpu.memref_slice %arg3[%add3A_11] : memref<320000xi32, #tpu.memory_space<hbm>> -> memref<80xi32, #tpu.memory_space<hbm>>
    tpu.enqueue_dma source(%dma_start3A_13 : memref<80xi32, #tpu.memory_space<hbm>>) target(%arg7 : memref<80xi32, #tpu.memory_space<vmem>>) target_semaphore(%arg28 : memref<!tpu.dma_semaphore, #tpu.memory_space<semaphore_mem>>)
    %add3A_14 = arith.constant 80 : i32
    %add3A_15 = arith.addi %mul3A_2, %add3A_14 : i32
    %dma_start3A_16 = tpu.memref_slice %arg4[%add3A_15] : memref<320000xi32, #tpu.memory_space<hbm>> -> memref<80xi32, #tpu.memory_space<hbm>>
    %dma_start3A_17 = tpu.memref_slice %arg4[%add3A_15] : memref<320000xi32, #tpu.memory_space<hbm>> -> memref<80xi32, #tpu.memory_space<hbm>>
    tpu.enqueue_dma source(%dma_start3A_17 : memref<80xi32, #tpu.memory_space<hbm>>) target(%arg11 : memref<80xi32, #tpu.memory_space<vmem>>) target_semaphore(%arg28 : memref<!tpu.dma_semaphore, #tpu.memory_space<semaphore_mem>>)
    %add3A_18 = arith.constant 160 : i32
    %add3A_19 = arith.addi %mul3A_2, %add3A_18 : i32
    %dma_start3A_20 = tpu.memref_slice %arg3[%add3A_19] : memref<320000xi32, #tpu.memory_space<hbm>> -> memref<80xi32, #tpu.memory_space<hbm>>
    %dma_start3A_21 = tpu.memref_slice %arg3[%add3A_19] : memref<320000xi32, #tpu.memory_space<hbm>> -> memref<80xi32, #tpu.memory_space<hbm>>
    tpu.enqueue_dma source(%dma_start3A_21 : memref<80xi32, #tpu.memory_space<hbm>>) target(%arg8 : memref<80xi32, #tpu.memory_space<vmem>>) target_semaphore(%arg29 : memref<!tpu.dma_semaphore, #tpu.memory_space<semaphore_mem>>)
    %add3A_22 = arith.constant 160 : i32
    %add3A_23 = arith.addi %mul3A_2, %add3A_22 : i32
    %dma_start3A_24 = tpu.memref_slice %arg4[%add3A_23] : memref<320000xi32, #tpu.memory_space<hbm>> -> memref<80xi32, #tpu.memory_space<hbm>>
    %dma_start3A_25 = tpu.memref_slice %arg4[%add3A_23] : memref<320000xi32, #tpu.memory_space<hbm>> -> memref<80xi32, #tpu.memory_space<hbm>>
    tpu.enqueue_dma source(%dma_start3A_25 : memref<80xi32, #tpu.memory_space<hbm>>) target(%arg12 : memref<80xi32, #tpu.memory_space<vmem>>) target_semaphore(%arg29 : memref<!tpu.dma_semaphore, #tpu.memory_space<semaphore_mem>>)
    %add3A_26 = arith.constant 240 : i32
    %add3A_27 = arith.addi %mul3A_2, %add3A_26 : i32
    %dma_start3A_28 = tpu.memref_slice %arg3[%add3A_27] : memref<320000xi32, #tpu.memory_space<hbm>> -> memref<80xi32, #tpu.memory_space<hbm>>
    %dma_start3A_29 = tpu.memref_slice %arg3[%add3A_27] : memref<320000xi32, #tpu.memory_space<hbm>> -> memref<80xi32, #tpu.memory_space<hbm>>
    tpu.enqueue_dma source(%dma_start3A_29 : memref<80xi32, #tpu.memory_space<hbm>>) target(%arg9 : memref<80xi32, #tpu.memory_space<vmem>>) target_semaphore(%arg30 : memref<!tpu.dma_semaphore, #tpu.memory_space<semaphore_mem>>)
    %add3A_30 = arith.constant 240 : i32
    %add3A_31 = arith.addi %mul3A_2, %add3A_30 : i32
    %dma_start3A_32 = tpu.memref_slice %arg4[%add3A_31] : memref<320000xi32, #tpu.memory_space<hbm>> -> memref<80xi32, #tpu.memory_space<hbm>>
    %dma_start3A_33 = tpu.memref_slice %arg4[%add3A_31] : memref<320000xi32, #tpu.memory_space<hbm>> -> memref<80xi32, #tpu.memory_space<hbm>>
    tpu.enqueue_dma source(%dma_start3A_33 : memref<80xi32, #tpu.memory_space<hbm>>) target(%arg13 : memref<80xi32, #tpu.memory_space<vmem>>) target_semaphore(%arg30 : memref<!tpu.dma_semaphore, #tpu.memory_space<semaphore_mem>>)
    %scan3A = arith.constant 0 : i32
    %scan3A_34 = arith.constant 640 : i32
    %scan3A_35 = arith.addi %scan3A, %scan3A_34 : i32
    %scan3A_36 = arith.constant 1 : i32
    scf.for %scan3A_190 = %scan3A to %scan3A_35 step %scan3A_36  : i32 {
      %broadcast_in_dim3A = arith.constant 0.000000e+00 : f32
      %broadcast_in_dim3A_191 = vector.broadcast %broadcast_in_dim3A : f32 to vector<16xf32>
      %jit3A = arith.constant 8 : i32
      %div3A = arith.divsi %scan3A_190, %jit3A : i32
      %sign3A = arith.constant 0 : i32
      %sign3A_192 = arith.cmpi sgt, %scan3A_190, %sign3A : i32
      %sign3A_193 = arith.extui %sign3A_192 : i1 to i32
      %sign3A_194 = arith.constant 0 : i32
      %sign3A_195 = arith.cmpi slt, %scan3A_190, %sign3A_194 : i32
      %sign3A_196 = arith.extui %sign3A_195 : i1 to i32
      %sign3A_197 = arith.subi %sign3A_193, %sign3A_196 : i32
      %sign3A_198 = arith.constant 0 : i32
      %sign3A_199 = arith.cmpi sgt, %jit3A, %sign3A_198 : i32
      %sign3A_200 = arith.extui %sign3A_199 : i1 to i32
      %sign3A_201 = arith.constant 0 : i32
      %sign3A_202 = arith.cmpi slt, %jit3A, %sign3A_201 : i32
      %sign3A_203 = arith.extui %sign3A_202 : i1 to i32
      %sign3A_204 = arith.subi %sign3A_200, %sign3A_203 : i32
      %ne3A = arith.cmpi ne, %sign3A_197, %sign3A_204 : i32
      %rem3A = arith.remsi %scan3A_190, %jit3A : i32
      %ne3A_205 = arith.constant 0 : i32
      %ne3A_206 = arith.cmpi ne, %rem3A, %ne3A_205 : i32
      %and3A = arith.andi %ne3A, %ne3A_206 : i1
      %sub3A = arith.constant 1 : i32
      %sub3A_207 = arith.subi %div3A, %sub3A : i32
      %select_n3A = arith.select %and3A, %sub3A_207, %div3A : i32
      %jit3A_208 = arith.constant 8 : i32
      %eq3A = arith.constant 0 : i32
      %eq3A_209 = arith.cmpi eq, %jit3A_208, %eq3A : i32
      %jit3A_210 = arith.constant 1 : i32
      %select_n3A_211 = arith.select %eq3A_209, %jit3A_210, %jit3A_208 : i32
      %rem3A_212 = arith.remsi %scan3A_190, %select_n3A_211 : i32
      %ne3A_213 = arith.constant 0 : i32
      %ne3A_214 = arith.cmpi ne, %rem3A_212, %ne3A_213 : i32
      %lt3A = arith.constant 0 : i32
      %lt3A_215 = arith.cmpi slt, %rem3A_212, %lt3A : i32
      %lt3A_216 = arith.constant 0 : i32
      %lt3A_217 = arith.cmpi slt, %select_n3A_211, %lt3A_216 : i32
      %ne3A_218 = arith.xori %lt3A_215, %lt3A_217 : i1
      %and3A_219 = arith.andi %ne3A_218, %ne3A_214 : i1
      %add3A_220 = arith.addi %rem3A_212, %select_n3A_211 : i32
      %select_n3A_221 = arith.select %and3A_219, %add3A_220, %rem3A_212 : i32
      %mul3A_222 = arith.constant 16 : i32
      %mul3A_223 = arith.muli %select_n3A_221, %mul3A_222 : i32
      %swap3A = arith.index_cast %select_n3A : i32 to index
      %swap3A_224 = arith.index_cast %mul3A_223 : i32 to index
      %swap3A_225 = tpu.vector_load %arg14[%swap3A, %swap3A_224] {strides = array<i32>} : memref<80x128xf32, #tpu.memory_space<vmem>>, vector<1x16xf32>,
      %swap3A_226 = vector.shape_cast %swap3A_225 : vector<1x16xf32> to vector<16xf32>
      %swap3A_227 = vector.shape_cast %broadcast_in_dim3A_191 : vector<16xf32> to vector<1x16xf32>
      tpu.vector_store %arg14[%swap3A, %swap3A_224], %swap3A_227 {strides = array<i32>} : memref<80x128xf32, #tpu.memory_space<vmem>>, vector<1x16xf32>,
    }
    %scan3A_37 = arith.constant 640 : i32
    %scan3A_38 = arith.constant 0 : i32
    %scan3A_39 = arith.constant 8 : i32
    %scan3A_40 = arith.addi %scan3A_38, %scan3A_39 : i32
    %scan3A_41 = arith.constant 1 : i32
    scf.for %scan3A_190 = %scan3A_38 to %scan3A_40 step %scan3A_41  : i32 {
      %mul3A_191 = arith.constant 640 : i32
      %mul3A_192 = arith.muli %arg1, %mul3A_191 : i32
      %mul3A_193 = arith.constant 80 : i32
      %mul3A_194 = arith.muli %scan3A_190, %mul3A_193 : i32
      %add3A_195 = arith.addi %mul3A_192, %mul3A_194 : i32
      "tpu.region"() ({
        %run_scoped3A = tpu.sem_alloc : memref<!tpu.dma_semaphore, #tpu.memory_space<semaphore_mem>>
        %dma_start3A_196 = arith.constant 0 : i32
        %dma_start3A_197 = tpu.memref_slice %arg18[%add3A_195, %dma_start3A_196] : memref<10240x128xf32, #tpu.memory_space<vmem_shared>> -> memref<80x128xf32, #tpu.memory_space<vmem_shared>>
        %dma_start3A_198 = arith.constant 0 : i32
        %dma_start3A_199 = tpu.memref_slice %arg18[%add3A_195, %dma_start3A_198] : memref<10240x128xf32, #tpu.memory_space<vmem_shared>> -> memref<80x128xf32, #tpu.memory_space<vmem_shared>>
        tpu.enqueue_dma source(%arg14 : memref<80x128xf32, #tpu.memory_space<vmem>>) target(%dma_start3A_199 : memref<80x128xf32, #tpu.memory_space<vmem_shared>>) target_semaphore(%run_scoped3A : memref<!tpu.dma_semaphore, #tpu.memory_space<semaphore_mem>>)
        %dma_wait3A_200 = arith.constant 0 : i32
        %dma_wait3A_201 = tpu.memref_slice %arg18[%add3A_195, %dma_wait3A_200] : memref<10240x128xf32, #tpu.memory_space<vmem_shared>> -> memref<80x128xf32, #tpu.memory_space<vmem_shared>>
        %dma_wait3A_202 = arith.constant 0 : i32
        %dma_wait3A_203 = tpu.memref_slice %arg18[%add3A_195, %dma_wait3A_202] : memref<10240x128xf32, #tpu.memory_space<vmem_shared>> -> memref<80x128xf32, #tpu.memory_space<vmem_shared>>
        tpu.wait_dma2 semaphore(%run_scoped3A : memref<!tpu.dma_semaphore, #tpu.memory_space<semaphore_mem>>) src(%arg14 : memref<80x128xf32, #tpu.memory_space<vmem>>) dst(%dma_wait3A_203 : memref<80x128xf32, #tpu.memory_space<vmem_shared>>)
        tpu.yield
      }) : () -> ()
    }
    %scan3A_42 = arith.constant 8 : i32
    %dma_wait3A = arith.constant 0 : i32
    %dma_wait3A_43 = tpu.memref_slice %arg3[%dma_wait3A] : memref<320000xi32, #tpu.memory_space<hbm>> -> memref<80xi32, #tpu.memory_space<hbm>>
    %dma_wait3A_44 = arith.constant 0 : i32
    %dma_wait3A_45 = tpu.memref_slice %arg3[%dma_wait3A_44] : memref<320000xi32, #tpu.memory_space<hbm>> -> memref<80xi32, #tpu.memory_space<hbm>>
    tpu.wait_dma2 semaphore(%arg27 : memref<!tpu.dma_semaphore, #tpu.memory_space<semaphore_mem>>) src(%dma_wait3A_45 : memref<80xi32, #tpu.memory_space<hbm>>) dst(%arg6 : memref<80xi32, #tpu.memory_space<vmem>>)
    %dma_wait3A_46 = arith.constant 0 : i32
    %dma_wait3A_47 = tpu.memref_slice %arg3[%dma_wait3A_46] : memref<320000xi32, #tpu.memory_space<hbm>> -> memref<80xi32, #tpu.memory_space<hbm>>
    %dma_wait3A_48 = arith.constant 0 : i32
    %dma_wait3A_49 = tpu.memref_slice %arg3[%dma_wait3A_48] : memref<320000xi32, #tpu.memory_space<hbm>> -> memref<80xi32, #tpu.memory_space<hbm>>
    tpu.wait_dma2 semaphore(%arg27 : memref<!tpu.dma_semaphore, #tpu.memory_space<semaphore_mem>>) src(%dma_wait3A_49 : memref<80xi32, #tpu.memory_space<hbm>>) dst(%arg10 : memref<80xi32, #tpu.memory_space<vmem>>)
    %dma_start3A_50 = arith.constant 0 : i32
    %dma_start3A_51 = arith.constant 0 : i32
    %dma_start3A_52 = tpu.memref_slice %arg2[%dma_start3A_50, %dma_start3A_51] : memref<10000x128xf32, #tpu.memory_space<hbm>> -> memref<10000x128xf32, #tpu.memory_space<hbm>>
    tpu.enqueue_indirect_dma source(%dma_start3A_52 : memref<10000x128xf32, #tpu.memory_space<hbm>>) target(%arg14 : memref<80x128xf32, #tpu.memory_space<vmem>>) offsets(%arg6 : memref<80xi32, #tpu.memory_space<vmem>>) semaphore(%arg19 : memref<!tpu.dma_semaphore, #tpu.memory_space<semaphore_mem>>)
    %barrier3A = arith.constant 0 : index
    tpu.barrier barrier_id(%barrier3A)
    %dma_wait3A_53 = arith.constant 0 : i32
    %dma_wait3A_54 = tpu.memref_slice %arg3[%dma_wait3A_53] : memref<320000xi32, #tpu.memory_space<hbm>> -> memref<80xi32, #tpu.memory_space<hbm>>
    %dma_wait3A_55 = arith.constant 0 : i32
    %dma_wait3A_56 = tpu.memref_slice %arg3[%dma_wait3A_55] : memref<320000xi32, #tpu.memory_space<hbm>> -> memref<80xi32, #tpu.memory_space<hbm>>
    tpu.wait_dma2 semaphore(%arg28 : memref<!tpu.dma_semaphore, #tpu.memory_space<semaphore_mem>>) src(%dma_wait3A_56 : memref<80xi32, #tpu.memory_space<hbm>>) dst(%arg7 : memref<80xi32, #tpu.memory_space<vmem>>)
    %dma_wait3A_57 = arith.constant 0 : i32
    %dma_wait3A_58 = tpu.memref_slice %arg3[%dma_wait3A_57] : memref<320000xi32, #tpu.memory_space<hbm>> -> memref<80xi32, #tpu.memory_space<hbm>>
    %dma_wait3A_59 = arith.constant 0 : i32
    %dma_wait3A_60 = tpu.memref_slice %arg3[%dma_wait3A_59] : memref<320000xi32, #tpu.memory_space<hbm>> -> memref<80xi32, #tpu.memory_space<hbm>>
    tpu.wait_dma2 semaphore(%arg28 : memref<!tpu.dma_semaphore, #tpu.memory_space<semaphore_mem>>) src(%dma_wait3A_60 : memref<80xi32, #tpu.memory_space<hbm>>) dst(%arg11 : memref<80xi32, #tpu.memory_space<vmem>>)
    %dma_start3A_61 = arith.constant 0 : i32
    %dma_start3A_62 = arith.constant 0 : i32
    %dma_start3A_63 = tpu.memref_slice %arg2[%dma_start3A_61, %dma_start3A_62] : memref<10000x128xf32, #tpu.memory_space<hbm>> -> memref<10000x128xf32, #tpu.memory_space<hbm>>
    tpu.enqueue_indirect_dma source(%dma_start3A_63 : memref<10000x128xf32, #tpu.memory_space<hbm>>) target(%arg15 : memref<80x128xf32, #tpu.memory_space<vmem>>) offsets(%arg7 : memref<80xi32, #tpu.memory_space<vmem>>) semaphore(%arg20 : memref<!tpu.dma_semaphore, #tpu.memory_space<semaphore_mem>>)
    %dma_wait3A_64 = arith.constant 0 : i32
    %dma_wait3A_65 = arith.constant 0 : i32
    %dma_wait3A_66 = tpu.memref_slice %arg2[%dma_wait3A_64, %dma_wait3A_65] : memref<10000x128xf32, #tpu.memory_space<hbm>> -> memref<80x128xf32, #tpu.memory_space<hbm>>
    %dma_wait3A_67 = arith.constant 0 : i32
    %dma_wait3A_68 = arith.constant 0 : i32
    %dma_wait3A_69 = tpu.memref_slice %arg2[%dma_wait3A_67, %dma_wait3A_68] : memref<10000x128xf32, #tpu.memory_space<hbm>> -> memref<80x128xf32, #tpu.memory_space<hbm>>
    tpu.wait_dma2 semaphore(%arg19 : memref<!tpu.dma_semaphore, #tpu.memory_space<semaphore_mem>>) src(%dma_wait3A_69 : memref<80x128xf32, #tpu.memory_space<hbm>>) dst(%arg14 : memref<80x128xf32, #tpu.memory_space<vmem>>)
    %dma_start3A_70 = arith.constant 0 : i32
    %dma_start3A_71 = arith.constant 0 : i32
    %dma_start3A_72 = tpu.memref_slice %arg18[%dma_start3A_70, %dma_start3A_71] : memref<10240x128xf32, #tpu.memory_space<vmem_shared>> -> memref<10240x128xf32, #tpu.memory_space<vmem_shared>>
    tpu.enqueue_indirect_dma source(%arg14 : memref<80x128xf32, #tpu.memory_space<vmem>>) target(%dma_start3A_72 : memref<10240x128xf32, #tpu.memory_space<vmem_shared>>) offsets(%arg10 : memref<80xi32, #tpu.memory_space<vmem>>) semaphore(%arg23 : memref<!tpu.dma_semaphore, #tpu.memory_space<semaphore_mem>>) {add = true}
    %dma_wait3A_73 = arith.constant 0 : i32
    %dma_wait3A_74 = tpu.memref_slice %arg3[%dma_wait3A_73] : memref<320000xi32, #tpu.memory_space<hbm>> -> memref<80xi32, #tpu.memory_space<hbm>>
    %dma_wait3A_75 = arith.constant 0 : i32
    %dma_wait3A_76 = tpu.memref_slice %arg3[%dma_wait3A_75] : memref<320000xi32, #tpu.memory_space<hbm>> -> memref<80xi32, #tpu.memory_space<hbm>>
    tpu.wait_dma2 semaphore(%arg29 : memref<!tpu.dma_semaphore, #tpu.memory_space<semaphore_mem>>) src(%dma_wait3A_76 : memref<80xi32, #tpu.memory_space<hbm>>) dst(%arg8 : memref<80xi32, #tpu.memory_space<vmem>>)
    %dma_wait3A_77 = arith.constant 0 : i32
    %dma_wait3A_78 = tpu.memref_slice %arg3[%dma_wait3A_77] : memref<320000xi32, #tpu.memory_space<hbm>> -> memref<80xi32, #tpu.memory_space<hbm>>
    %dma_wait3A_79 = arith.constant 0 : i32
    %dma_wait3A_80 = tpu.memref_slice %arg3[%dma_wait3A_79] : memref<320000xi32, #tpu.memory_space<hbm>> -> memref<80xi32, #tpu.memory_space<hbm>>
    tpu.wait_dma2 semaphore(%arg29 : memref<!tpu.dma_semaphore, #tpu.memory_space<semaphore_mem>>) src(%dma_wait3A_80 : memref<80xi32, #tpu.memory_space<hbm>>) dst(%arg12 : memref<80xi32, #tpu.memory_space<vmem>>)
    %dma_start3A_81 = arith.constant 0 : i32
    %dma_start3A_82 = arith.constant 0 : i32
    %dma_start3A_83 = tpu.memref_slice %arg2[%dma_start3A_81, %dma_start3A_82] : memref<10000x128xf32, #tpu.memory_space<hbm>> -> memref<10000x128xf32, #tpu.memory_space<hbm>>
    tpu.enqueue_indirect_dma source(%dma_start3A_83 : memref<10000x128xf32, #tpu.memory_space<hbm>>) target(%arg16 : memref<80x128xf32, #tpu.memory_space<vmem>>) offsets(%arg8 : memref<80xi32, #tpu.memory_space<vmem>>) semaphore(%arg21 : memref<!tpu.dma_semaphore, #tpu.memory_space<semaphore_mem>>)
    %dma_wait3A_84 = arith.constant 0 : i32
    %dma_wait3A_85 = arith.constant 0 : i32
    %dma_wait3A_86 = tpu.memref_slice %arg2[%dma_wait3A_84, %dma_wait3A_85] : memref<10000x128xf32, #tpu.memory_space<hbm>> -> memref<80x128xf32, #tpu.memory_space<hbm>>
    %dma_wait3A_87 = arith.constant 0 : i32
    %dma_wait3A_88 = arith.constant 0 : i32
    %dma_wait3A_89 = tpu.memref_slice %arg2[%dma_wait3A_87, %dma_wait3A_88] : memref<10000x128xf32, #tpu.memory_space<hbm>> -> memref<80x128xf32, #tpu.memory_space<hbm>>
    tpu.wait_dma2 semaphore(%arg20 : memref<!tpu.dma_semaphore, #tpu.memory_space<semaphore_mem>>) src(%dma_wait3A_89 : memref<80x128xf32, #tpu.memory_space<hbm>>) dst(%arg15 : memref<80x128xf32, #tpu.memory_space<vmem>>)
    %dma_start3A_90 = arith.constant 0 : i32
    %dma_start3A_91 = arith.constant 0 : i32
    %dma_start3A_92 = tpu.memref_slice %arg18[%dma_start3A_90, %dma_start3A_91] : memref<10240x128xf32, #tpu.memory_space<vmem_shared>> -> memref<10240x128xf32, #tpu.memory_space<vmem_shared>>
    tpu.enqueue_indirect_dma source(%arg15 : memref<80x128xf32, #tpu.memory_space<vmem>>) target(%dma_start3A_92 : memref<10240x128xf32, #tpu.memory_space<vmem_shared>>) offsets(%arg11 : memref<80xi32, #tpu.memory_space<vmem>>) semaphore(%arg24 : memref<!tpu.dma_semaphore, #tpu.memory_space<semaphore_mem>>) {add = true}
    %scan3A_93 = arith.constant 0 : i32
    %scan3A_94 = arith.constant 30 : i32
    %scan3A_95 = arith.addi %scan3A_93, %scan3A_94 : i32
    %scan3A_96 = arith.constant 1 : i32
    scf.for %scan3A_190 = %scan3A_93 to %scan3A_95 step %scan3A_96  : i32 {
      %mul3A_191 = arith.constant 4 : i32
      %mul3A_192 = arith.muli %mul3A_191, %scan3A_190 : i32
      %add3A_193 = arith.constant 2 : i32
      %add3A_194 = arith.addi %mul3A_192, %add3A_193 : i32
      %dma_wait3A_195 = arith.constant 0 : i32
      %dma_wait3A_196 = tpu.memref_slice %arg3[%dma_wait3A_195] : memref<320000xi32, #tpu.memory_space<hbm>> -> memref<80xi32, #tpu.memory_space<hbm>>
      %dma_wait3A_197 = arith.constant 0 : i32
      %dma_wait3A_198 = tpu.memref_slice %arg3[%dma_wait3A_197] : memref<320000xi32, #tpu.memory_space<hbm>> -> memref<80xi32, #tpu.memory_space<hbm>>
      tpu.wait_dma2 semaphore(%arg30 : memref<!tpu.dma_semaphore, #tpu.memory_space<semaphore_mem>>) src(%dma_wait3A_198 : memref<80xi32, #tpu.memory_space<hbm>>) dst(%arg9 : memref<80xi32, #tpu.memory_space<vmem>>)
      %dma_wait3A_199 = arith.constant 0 : i32
      %dma_wait3A_200 = tpu.memref_slice %arg3[%dma_wait3A_199] : memref<320000xi32, #tpu.memory_space<hbm>> -> memref<80xi32, #tpu.memory_space<hbm>>
      %dma_wait3A_201 = arith.constant 0 : i32
      %dma_wait3A_202 = tpu.memref_slice %arg3[%dma_wait3A_201] : memref<320000xi32, #tpu.memory_space<hbm>> -> memref<80xi32, #tpu.memory_space<hbm>>
      tpu.wait_dma2 semaphore(%arg30 : memref<!tpu.dma_semaphore, #tpu.memory_space<semaphore_mem>>) src(%dma_wait3A_202 : memref<80xi32, #tpu.memory_space<hbm>>) dst(%arg13 : memref<80xi32, #tpu.memory_space<vmem>>)
      %dma_start3A_203 = arith.constant 0 : i32
      %dma_start3A_204 = arith.constant 0 : i32
      %dma_start3A_205 = tpu.memref_slice %arg2[%dma_start3A_203, %dma_start3A_204] : memref<10000x128xf32, #tpu.memory_space<hbm>> -> memref<10000x128xf32, #tpu.memory_space<hbm>>
      tpu.enqueue_indirect_dma source(%dma_start3A_205 : memref<10000x128xf32, #tpu.memory_space<hbm>>) target(%arg17 : memref<80x128xf32, #tpu.memory_space<vmem>>) offsets(%arg9 : memref<80xi32, #tpu.memory_space<vmem>>) semaphore(%arg22 : memref<!tpu.dma_semaphore, #tpu.memory_space<semaphore_mem>>)
      %dma_wait3A_206 = arith.constant 0 : i32
      %dma_wait3A_207 = arith.constant 0 : i32
      %dma_wait3A_208 = tpu.memref_slice %arg2[%dma_wait3A_206, %dma_wait3A_207] : memref<10000x128xf32, #tpu.memory_space<hbm>> -> memref<80x128xf32, #tpu.memory_space<hbm>>
      %dma_wait3A_209 = arith.constant 0 : i32
      %dma_wait3A_210 = arith.constant 0 : i32
      %dma_wait3A_211 = tpu.memref_slice %arg2[%dma_wait3A_209, %dma_wait3A_210] : memref<10000x128xf32, #tpu.memory_space<hbm>> -> memref<80x128xf32, #tpu.memory_space<hbm>>
      tpu.wait_dma2 semaphore(%arg21 : memref<!tpu.dma_semaphore, #tpu.memory_space<semaphore_mem>>) src(%dma_wait3A_211 : memref<80x128xf32, #tpu.memory_space<hbm>>) dst(%arg16 : memref<80x128xf32, #tpu.memory_space<vmem>>)
      %dma_start3A_212 = arith.constant 0 : i32
      %dma_start3A_213 = arith.constant 0 : i32
      %dma_start3A_214 = tpu.memref_slice %arg18[%dma_start3A_212, %dma_start3A_213] : memref<10240x128xf32, #tpu.memory_space<vmem_shared>> -> memref<10240x128xf32, #tpu.memory_space<vmem_shared>>
      tpu.enqueue_indirect_dma source(%arg16 : memref<80x128xf32, #tpu.memory_space<vmem>>) target(%dma_start3A_214 : memref<10240x128xf32, #tpu.memory_space<vmem_shared>>) offsets(%arg12 : memref<80xi32, #tpu.memory_space<vmem>>) semaphore(%arg25 : memref<!tpu.dma_semaphore, #tpu.memory_space<semaphore_mem>>) {add = true}
      %dma_wait3A_215 = arith.constant 0 : i32
      %dma_wait3A_216 = arith.constant 0 : i32
      %dma_wait3A_217 = tpu.memref_slice %arg18[%dma_wait3A_215, %dma_wait3A_216] : memref<10240x128xf32, #tpu.memory_space<vmem_shared>> -> memref<80x128xf32, #tpu.memory_space<vmem_shared>>
      %dma_wait3A_218 = arith.constant 0 : i32
      %dma_wait3A_219 = arith.constant 0 : i32
      %dma_wait3A_220 = tpu.memref_slice %arg18[%dma_wait3A_218, %dma_wait3A_219] : memref<10240x128xf32, #tpu.memory_space<vmem_shared>> -> memref<80x128xf32, #tpu.memory_space<vmem_shared>>
      tpu.wait_dma2 semaphore(%arg23 : memref<!tpu.dma_semaphore, #tpu.memory_space<semaphore_mem>>) src(%arg14 : memref<80x128xf32, #tpu.memory_space<vmem>>) dst(%dma_wait3A_220 : memref<80x128xf32, #tpu.memory_space<vmem_shared>>)
      %add3A_221 = arith.constant 0 : i32
      %add3A_222 = arith.addi %add3A_194, %add3A_221 : i32
      %add3A_223 = arith.constant 2 : i32
      %add3A_224 = arith.addi %add3A_222, %add3A_223 : i32
      %mul3A_225 = arith.constant 80 : i32
      %mul3A_226 = arith.muli %add3A_224, %mul3A_225 : i32
      %add3A_227 = arith.addi %mul3A_2, %mul3A_226 : i32
      %dma_start3A_228 = tpu.memref_slice %arg3[%add3A_227] : memref<320000xi32, #tpu.memory_space<hbm>> -> memref<80xi32, #tpu.memory_space<hbm>>
      %dma_start3A_229 = tpu.memref_slice %arg3[%add3A_227] : memref<320000xi32, #tpu.memory_space<hbm>> -> memref<80xi32, #tpu.memory_space<hbm>>
      tpu.enqueue_dma source(%dma_start3A_229 : memref<80xi32, #tpu.memory_space<hbm>>) target(%arg6 : memref<80xi32, #tpu.memory_space<vmem>>) target_semaphore(%arg27 : memref<!tpu.dma_semaphore, #tpu.memory_space<semaphore_mem>>)
      %mul3A_230 = arith.constant 80 : i32
      %mul3A_231 = arith.muli %add3A_224, %mul3A_230 : i32
      %add3A_232 = arith.addi %mul3A_2, %mul3A_231 : i32
      %dma_start3A_233 = tpu.memref_slice %arg4[%add3A_232] : memref<320000xi32, #tpu.memory_space<hbm>> -> memref<80xi32, #tpu.memory_space<hbm>>
      %dma_start3A_234 = tpu.memref_slice %arg4[%add3A_232] : memref<320000xi32, #tpu.memory_space<hbm>> -> memref<80xi32, #tpu.memory_space<hbm>>
      tpu.enqueue_dma source(%dma_start3A_234 : memref<80xi32, #tpu.memory_space<hbm>>) target(%arg10 : memref<80xi32, #tpu.memory_space<vmem>>) target_semaphore(%arg27 : memref<!tpu.dma_semaphore, #tpu.memory_space<semaphore_mem>>)
      %dma_wait3A_235 = arith.constant 0 : i32
      %dma_wait3A_236 = tpu.memref_slice %arg3[%dma_wait3A_235] : memref<320000xi32, #tpu.memory_space<hbm>> -> memref<80xi32, #tpu.memory_space<hbm>>
      %dma_wait3A_237 = arith.constant 0 : i32
      %dma_wait3A_238 = tpu.memref_slice %arg3[%dma_wait3A_237] : memref<320000xi32, #tpu.memory_space<hbm>> -> memref<80xi32, #tpu.memory_space<hbm>>
      tpu.wait_dma2 semaphore(%arg27 : memref<!tpu.dma_semaphore, #tpu.memory_space<semaphore_mem>>) src(%dma_wait3A_238 : memref<80xi32, #tpu.memory_space<hbm>>) dst(%arg6 : memref<80xi32, #tpu.memory_space<vmem>>)
      %dma_wait3A_239 = arith.constant 0 : i32
      %dma_wait3A_240 = tpu.memref_slice %arg3[%dma_wait3A_239] : memref<320000xi32, #tpu.memory_space<hbm>> -> memref<80xi32, #tpu.memory_space<hbm>>
      %dma_wait3A_241 = arith.constant 0 : i32
      %dma_wait3A_242 = tpu.memref_slice %arg3[%dma_wait3A_241] : memref<320000xi32, #tpu.memory_space<hbm>> -> memref<80xi32, #tpu.memory_space<hbm>>
      tpu.wait_dma2 semaphore(%arg27 : memref<!tpu.dma_semaphore, #tpu.memory_space<semaphore_mem>>) src(%dma_wait3A_242 : memref<80xi32, #tpu.memory_space<hbm>>) dst(%arg10 : memref<80xi32, #tpu.memory_space<vmem>>)
      %dma_start3A_243 = arith.constant 0 : i32
      %dma_start3A_244 = arith.constant 0 : i32
      %dma_start3A_245 = tpu.memref_slice %arg2[%dma_start3A_243, %dma_start3A_244] : memref<10000x128xf32, #tpu.memory_space<hbm>> -> memref<10000x128xf32, #tpu.memory_space<hbm>>
      tpu.enqueue_indirect_dma source(%dma_start3A_245 : memref<10000x128xf32, #tpu.memory_space<hbm>>) target(%arg14 : memref<80x128xf32, #tpu.memory_space<vmem>>) offsets(%arg6 : memref<80xi32, #tpu.memory_space<vmem>>) semaphore(%arg19 : memref<!tpu.dma_semaphore, #tpu.memory_space<semaphore_mem>>)
      %dma_wait3A_246 = arith.constant 0 : i32
      %dma_wait3A_247 = arith.constant 0 : i32
      %dma_wait3A_248 = tpu.memref_slice %arg2[%dma_wait3A_246, %dma_wait3A_247] : memref<10000x128xf32, #tpu.memory_space<hbm>> -> memref<80x128xf32, #tpu.memory_space<hbm>>
      %dma_wait3A_249 = arith.constant 0 : i32
      %dma_wait3A_250 = arith.constant 0 : i32
      %dma_wait3A_251 = tpu.memref_slice %arg2[%dma_wait3A_249, %dma_wait3A_250] : memref<10000x128xf32, #tpu.memory_space<hbm>> -> memref<80x128xf32, #tpu.memory_space<hbm>>
      tpu.wait_dma2 semaphore(%arg22 : memref<!tpu.dma_semaphore, #tpu.memory_space<semaphore_mem>>) src(%dma_wait3A_251 : memref<80x128xf32, #tpu.memory_space<hbm>>) dst(%arg17 : memref<80x128xf32, #tpu.memory_space<vmem>>)
      %dma_start3A_252 = arith.constant 0 : i32
      %dma_start3A_253 = arith.constant 0 : i32
      %dma_start3A_254 = tpu.memref_slice %arg18[%dma_start3A_252, %dma_start3A_253] : memref<10240x128xf32, #tpu.memory_space<vmem_shared>> -> memref<10240x128xf32, #tpu.memory_space<vmem_shared>>
      tpu.enqueue_indirect_dma source(%arg17 : memref<80x128xf32, #tpu.memory_space<vmem>>) target(%dma_start3A_254 : memref<10240x128xf32, #tpu.memory_space<vmem_shared>>) offsets(%arg13 : memref<80xi32, #tpu.memory_space<vmem>>) semaphore(%arg26 : memref<!tpu.dma_semaphore, #tpu.memory_space<semaphore_mem>>) {add = true}
      %dma_wait3A_255 = arith.constant 0 : i32
      %dma_wait3A_256 = arith.constant 0 : i32
      %dma_wait3A_257 = tpu.memref_slice %arg18[%dma_wait3A_255, %dma_wait3A_256] : memref<10240x128xf32, #tpu.memory_space<vmem_shared>> -> memref<80x128xf32, #tpu.memory_space<vmem_shared>>
      %dma_wait3A_258 = arith.constant 0 : i32
      %dma_wait3A_259 = arith.constant 0 : i32
      %dma_wait3A_260 = tpu.memref_slice %arg18[%dma_wait3A_258, %dma_wait3A_259] : memref<10240x128xf32, #tpu.memory_space<vmem_shared>> -> memref<80x128xf32, #tpu.memory_space<vmem_shared>>
      tpu.wait_dma2 semaphore(%arg24 : memref<!tpu.dma_semaphore, #tpu.memory_space<semaphore_mem>>) src(%arg15 : memref<80x128xf32, #tpu.memory_space<vmem>>) dst(%dma_wait3A_260 : memref<80x128xf32, #tpu.memory_space<vmem_shared>>)
      %add3A_261 = arith.constant 1 : i32
      %add3A_262 = arith.addi %add3A_194, %add3A_261 : i32
      %add3A_263 = arith.constant 2 : i32
      %add3A_264 = arith.addi %add3A_262, %add3A_263 : i32
      %mul3A_265 = arith.constant 80 : i32
      %mul3A_266 = arith.muli %add3A_264, %mul3A_265 : i32
      %add3A_267 = arith.addi %mul3A_2, %mul3A_266 : i32
      %dma_start3A_268 = tpu.memref_slice %arg3[%add3A_267] : memref<320000xi32, #tpu.memory_space<hbm>> -> memref<80xi32, #tpu.memory_space<hbm>>
      %dma_start3A_269 = tpu.memref_slice %arg3[%add3A_267] : memref<320000xi32, #tpu.memory_space<hbm>> -> memref<80xi32, #tpu.memory_space<hbm>>
      tpu.enqueue_dma source(%dma_start3A_269 : memref<80xi32, #tpu.memory_space<hbm>>) target(%arg7 : memref<80xi32, #tpu.memory_space<vmem>>) target_semaphore(%arg28 : memref<!tpu.dma_semaphore, #tpu.memory_space<semaphore_mem>>)
      %mul3A_270 = arith.constant 80 : i32
      %mul3A_271 = arith.muli %add3A_264, %mul3A_270 : i32
      %add3A_272 = arith.addi %mul3A_2, %mul3A_271 : i32
      %dma_start3A_273 = tpu.memref_slice %arg4[%add3A_272] : memref<320000xi32, #tpu.memory_space<hbm>> -> memref<80xi32, #tpu.memory_space<hbm>>
      %dma_start3A_274 = tpu.memref_slice %arg4[%add3A_272] : memref<320000xi32, #tpu.memory_space<hbm>> -> memref<80xi32, #tpu.memory_space<hbm>>
      tpu.enqueue_dma source(%dma_start3A_274 : memref<80xi32, #tpu.memory_space<hbm>>) target(%arg11 : memref<80xi32, #tpu.memory_space<vmem>>) target_semaphore(%arg28 : memref<!tpu.dma_semaphore, #tpu.memory_space<semaphore_mem>>)
      %dma_wait3A_275 = arith.constant 0 : i32
      %dma_wait3A_276 = tpu.memref_slice %arg3[%dma_wait3A_275] : memref<320000xi32, #tpu.memory_space<hbm>> -> memref<80xi32, #tpu.memory_space<hbm>>
      %dma_wait3A_277 = arith.constant 0 : i32
      %dma_wait3A_278 = tpu.memref_slice %arg3[%dma_wait3A_277] : memref<320000xi32, #tpu.memory_space<hbm>> -> memref<80xi32, #tpu.memory_space<hbm>>
      tpu.wait_dma2 semaphore(%arg28 : memref<!tpu.dma_semaphore, #tpu.memory_space<semaphore_mem>>) src(%dma_wait3A_278 : memref<80xi32, #tpu.memory_space<hbm>>) dst(%arg7 : memref<80xi32, #tpu.memory_space<vmem>>)
      %dma_wait3A_279 = arith.constant 0 : i32
      %dma_wait3A_280 = tpu.memref_slice %arg3[%dma_wait3A_279] : memref<320000xi32, #tpu.memory_space<hbm>> -> memref<80xi32, #tpu.memory_space<hbm>>
      %dma_wait3A_281 = arith.constant 0 : i32
      %dma_wait3A_282 = tpu.memref_slice %arg3[%dma_wait3A_281] : memref<320000xi32, #tpu.memory_space<hbm>> -> memref<80xi32, #tpu.memory_space<hbm>>
      tpu.wait_dma2 semaphore(%arg28 : memref<!tpu.dma_semaphore, #tpu.memory_space<semaphore_mem>>) src(%dma_wait3A_282 : memref<80xi32, #tpu.memory_space<hbm>>) dst(%arg11 : memref<80xi32, #tpu.memory_space<vmem>>)
      %dma_start3A_283 = arith.constant 0 : i32
      %dma_start3A_284 = arith.constant 0 : i32
      %dma_start3A_285 = tpu.memref_slice %arg2[%dma_start3A_283, %dma_start3A_284] : memref<10000x128xf32, #tpu.memory_space<hbm>> -> memref<10000x128xf32, #tpu.memory_space<hbm>>
      tpu.enqueue_indirect_dma source(%dma_start3A_285 : memref<10000x128xf32, #tpu.memory_space<hbm>>) target(%arg15 : memref<80x128xf32, #tpu.memory_space<vmem>>) offsets(%arg7 : memref<80xi32, #tpu.memory_space<vmem>>) semaphore(%arg20 : memref<!tpu.dma_semaphore, #tpu.memory_space<semaphore_mem>>)
      %dma_wait3A_286 = arith.constant 0 : i32
      %dma_wait3A_287 = arith.constant 0 : i32
      %dma_wait3A_288 = tpu.memref_slice %arg2[%dma_wait3A_286, %dma_wait3A_287] : memref<10000x128xf32, #tpu.memory_space<hbm>> -> memref<80x128xf32, #tpu.memory_space<hbm>>
      %dma_wait3A_289 = arith.constant 0 : i32
      %dma_wait3A_290 = arith.constant 0 : i32
      %dma_wait3A_291 = tpu.memref_slice %arg2[%dma_wait3A_289, %dma_wait3A_290] : memref<10000x128xf32, #tpu.memory_space<hbm>> -> memref<80x128xf32, #tpu.memory_space<hbm>>
      tpu.wait_dma2 semaphore(%arg19 : memref<!tpu.dma_semaphore, #tpu.memory_space<semaphore_mem>>) src(%dma_wait3A_291 : memref<80x128xf32, #tpu.memory_space<hbm>>) dst(%arg14 : memref<80x128xf32, #tpu.memory_space<vmem>>)
      %dma_start3A_292 = arith.constant 0 : i32
      %dma_start3A_293 = arith.constant 0 : i32
      %dma_start3A_294 = tpu.memref_slice %arg18[%dma_start3A_292, %dma_start3A_293] : memref<10240x128xf32, #tpu.memory_space<vmem_shared>> -> memref<10240x128xf32, #tpu.memory_space<vmem_shared>>
      tpu.enqueue_indirect_dma source(%arg14 : memref<80x128xf32, #tpu.memory_space<vmem>>) target(%dma_start3A_294 : memref<10240x128xf32, #tpu.memory_space<vmem_shared>>) offsets(%arg10 : memref<80xi32, #tpu.memory_space<vmem>>) semaphore(%arg23 : memref<!tpu.dma_semaphore, #tpu.memory_space<semaphore_mem>>) {add = true}
      %dma_wait3A_295 = arith.constant 0 : i32
      %dma_wait3A_296 = arith.constant 0 : i32
      %dma_wait3A_297 = tpu.memref_slice %arg18[%dma_wait3A_295, %dma_wait3A_296] : memref<10240x128xf32, #tpu.memory_space<vmem_shared>> -> memref<80x128xf32, #tpu.memory_space<vmem_shared>>
      %dma_wait3A_298 = arith.constant 0 : i32
      %dma_wait3A_299 = arith.constant 0 : i32
      %dma_wait3A_300 = tpu.memref_slice %arg18[%dma_wait3A_298, %dma_wait3A_299] : memref<10240x128xf32, #tpu.memory_space<vmem_shared>> -> memref<80x128xf32, #tpu.memory_space<vmem_shared>>
      tpu.wait_dma2 semaphore(%arg25 : memref<!tpu.dma_semaphore, #tpu.memory_space<semaphore_mem>>) src(%arg16 : memref<80x128xf32, #tpu.memory_space<vmem>>) dst(%dma_wait3A_300 : memref<80x128xf32, #tpu.memory_space<vmem_shared>>)
      %add3A_301 = arith.constant 2 : i32
      %add3A_302 = arith.addi %add3A_194, %add3A_301 : i32
      %add3A_303 = arith.constant 2 : i32
      %add3A_304 = arith.addi %add3A_302, %add3A_303 : i32
      %mul3A_305 = arith.constant 80 : i32
      %mul3A_306 = arith.muli %add3A_304, %mul3A_305 : i32
      %add3A_307 = arith.addi %mul3A_2, %mul3A_306 : i32
      %dma_start3A_308 = tpu.memref_slice %arg3[%add3A_307] : memref<320000xi32, #tpu.memory_space<hbm>> -> memref<80xi32, #tpu.memory_space<hbm>>
      %dma_start3A_309 = tpu.memref_slice %arg3[%add3A_307] : memref<320000xi32, #tpu.memory_space<hbm>> -> memref<80xi32, #tpu.memory_space<hbm>>
      tpu.enqueue_dma source(%dma_start3A_309 : memref<80xi32, #tpu.memory_space<hbm>>) target(%arg8 : memref<80xi32, #tpu.memory_space<vmem>>) target_semaphore(%arg29 : memref<!tpu.dma_semaphore, #tpu.memory_space<semaphore_mem>>)
      %mul3A_310 = arith.constant 80 : i32
      %mul3A_311 = arith.muli %add3A_304, %mul3A_310 : i32
      %add3A_312 = arith.addi %mul3A_2, %mul3A_311 : i32
      %dma_start3A_313 = tpu.memref_slice %arg4[%add3A_312] : memref<320000xi32, #tpu.memory_space<hbm>> -> memref<80xi32, #tpu.memory_space<hbm>>
      %dma_start3A_314 = tpu.memref_slice %arg4[%add3A_312] : memref<320000xi32, #tpu.memory_space<hbm>> -> memref<80xi32, #tpu.memory_space<hbm>>
      tpu.enqueue_dma source(%dma_start3A_314 : memref<80xi32, #tpu.memory_space<hbm>>) target(%arg12 : memref<80xi32, #tpu.memory_space<vmem>>) target_semaphore(%arg29 : memref<!tpu.dma_semaphore, #tpu.memory_space<semaphore_mem>>)
      %dma_wait3A_315 = arith.constant 0 : i32
      %dma_wait3A_316 = tpu.memref_slice %arg3[%dma_wait3A_315] : memref<320000xi32, #tpu.memory_space<hbm>> -> memref<80xi32, #tpu.memory_space<hbm>>
      %dma_wait3A_317 = arith.constant 0 : i32
      %dma_wait3A_318 = tpu.memref_slice %arg3[%dma_wait3A_317] : memref<320000xi32, #tpu.memory_space<hbm>> -> memref<80xi32, #tpu.memory_space<hbm>>
      tpu.wait_dma2 semaphore(%arg29 : memref<!tpu.dma_semaphore, #tpu.memory_space<semaphore_mem>>) src(%dma_wait3A_318 : memref<80xi32, #tpu.memory_space<hbm>>) dst(%arg8 : memref<80xi32, #tpu.memory_space<vmem>>)
      %dma_wait3A_319 = arith.constant 0 : i32
      %dma_wait3A_320 = tpu.memref_slice %arg3[%dma_wait3A_319] : memref<320000xi32, #tpu.memory_space<hbm>> -> memref<80xi32, #tpu.memory_space<hbm>>
      %dma_wait3A_321 = arith.constant 0 : i32
      %dma_wait3A_322 = tpu.memref_slice %arg3[%dma_wait3A_321] : memref<320000xi32, #tpu.memory_space<hbm>> -> memref<80xi32, #tpu.memory_space<hbm>>
      tpu.wait_dma2 semaphore(%arg29 : memref<!tpu.dma_semaphore, #tpu.memory_space<semaphore_mem>>) src(%dma_wait3A_322 : memref<80xi32, #tpu.memory_space<hbm>>) dst(%arg12 : memref<80xi32, #tpu.memory_space<vmem>>)
      %dma_start3A_323 = arith.constant 0 : i32
      %dma_start3A_324 = arith.constant 0 : i32
      %dma_start3A_325 = tpu.memref_slice %arg2[%dma_start3A_323, %dma_start3A_324] : memref<10000x128xf32, #tpu.memory_space<hbm>> -> memref<10000x128xf32, #tpu.memory_space<hbm>>
      tpu.enqueue_indirect_dma source(%dma_start3A_325 : memref<10000x128xf32, #tpu.memory_space<hbm>>) target(%arg16 : memref<80x128xf32, #tpu.memory_space<vmem>>) offsets(%arg8 : memref<80xi32, #tpu.memory_space<vmem>>) semaphore(%arg21 : memref<!tpu.dma_semaphore, #tpu.memory_space<semaphore_mem>>)
      %dma_wait3A_326 = arith.constant 0 : i32
      %dma_wait3A_327 = arith.constant 0 : i32
      %dma_wait3A_328 = tpu.memref_slice %arg2[%dma_wait3A_326, %dma_wait3A_327] : memref<10000x128xf32, #tpu.memory_space<hbm>> -> memref<80x128xf32, #tpu.memory_space<hbm>>
      %dma_wait3A_329 = arith.constant 0 : i32
      %dma_wait3A_330 = arith.constant 0 : i32
      %dma_wait3A_331 = tpu.memref_slice %arg2[%dma_wait3A_329, %dma_wait3A_330] : memref<10000x128xf32, #tpu.memory_space<hbm>> -> memref<80x128xf32, #tpu.memory_space<hbm>>
      tpu.wait_dma2 semaphore(%arg20 : memref<!tpu.dma_semaphore, #tpu.memory_space<semaphore_mem>>) src(%dma_wait3A_331 : memref<80x128xf32, #tpu.memory_space<hbm>>) dst(%arg15 : memref<80x128xf32, #tpu.memory_space<vmem>>)
      %dma_start3A_332 = arith.constant 0 : i32
      %dma_start3A_333 = arith.constant 0 : i32
      %dma_start3A_334 = tpu.memref_slice %arg18[%dma_start3A_332, %dma_start3A_333] : memref<10240x128xf32, #tpu.memory_space<vmem_shared>> -> memref<10240x128xf32, #tpu.memory_space<vmem_shared>>
      tpu.enqueue_indirect_dma source(%arg15 : memref<80x128xf32, #tpu.memory_space<vmem>>) target(%dma_start3A_334 : memref<10240x128xf32, #tpu.memory_space<vmem_shared>>) offsets(%arg11 : memref<80xi32, #tpu.memory_space<vmem>>) semaphore(%arg24 : memref<!tpu.dma_semaphore, #tpu.memory_space<semaphore_mem>>) {add = true}
      %dma_wait3A_335 = arith.constant 0 : i32
      %dma_wait3A_336 = arith.constant 0 : i32
      %dma_wait3A_337 = tpu.memref_slice %arg18[%dma_wait3A_335, %dma_wait3A_336] : memref<10240x128xf32, #tpu.memory_space<vmem_shared>> -> memref<80x128xf32, #tpu.memory_space<vmem_shared>>
      %dma_wait3A_338 = arith.constant 0 : i32
      %dma_wait3A_339 = arith.constant 0 : i32
      %dma_wait3A_340 = tpu.memref_slice %arg18[%dma_wait3A_338, %dma_wait3A_339] : memref<10240x128xf32, #tpu.memory_space<vmem_shared>> -> memref<80x128xf32, #tpu.memory_space<vmem_shared>>
      tpu.wait_dma2 semaphore(%arg26 : memref<!tpu.dma_semaphore, #tpu.memory_space<semaphore_mem>>) src(%arg17 : memref<80x128xf32, #tpu.memory_space<vmem>>) dst(%dma_wait3A_340 : memref<80x128xf32, #tpu.memory_space<vmem_shared>>)
      %add3A_341 = arith.constant 3 : i32
      %add3A_342 = arith.addi %add3A_194, %add3A_341 : i32
      %add3A_343 = arith.constant 2 : i32
      %add3A_344 = arith.addi %add3A_342, %add3A_343 : i32
      %mul3A_345 = arith.constant 80 : i32
      %mul3A_346 = arith.muli %add3A_344, %mul3A_345 : i32
      %add3A_347 = arith.addi %mul3A_2, %mul3A_346 : i32
      %dma_start3A_348 = tpu.memref_slice %arg3[%add3A_347] : memref<320000xi32, #tpu.memory_space<hbm>> -> memref<80xi32, #tpu.memory_space<hbm>>
      %dma_start3A_349 = tpu.memref_slice %arg3[%add3A_347] : memref<320000xi32, #tpu.memory_space<hbm>> -> memref<80xi32, #tpu.memory_space<hbm>>
      tpu.enqueue_dma source(%dma_start3A_349 : memref<80xi32, #tpu.memory_space<hbm>>) target(%arg9 : memref<80xi32, #tpu.memory_space<vmem>>) target_semaphore(%arg30 : memref<!tpu.dma_semaphore, #tpu.memory_space<semaphore_mem>>)
      %mul3A_350 = arith.constant 80 : i32
      %mul3A_351 = arith.muli %add3A_344, %mul3A_350 : i32
      %add3A_352 = arith.addi %mul3A_2, %mul3A_351 : i32
      %dma_start3A_353 = tpu.memref_slice %arg4[%add3A_352] : memref<320000xi32, #tpu.memory_space<hbm>> -> memref<80xi32, #tpu.memory_space<hbm>>
      %dma_start3A_354 = tpu.memref_slice %arg4[%add3A_352] : memref<320000xi32, #tpu.memory_space<hbm>> -> memref<80xi32, #tpu.memory_space<hbm>>
      tpu.enqueue_dma source(%dma_start3A_354 : memref<80xi32, #tpu.memory_space<hbm>>) target(%arg13 : memref<80xi32, #tpu.memory_space<vmem>>) target_semaphore(%arg30 : memref<!tpu.dma_semaphore, #tpu.memory_space<semaphore_mem>>)
    }
    %scan3A_97 = arith.constant 30 : i32
    %dma_wait3A_98 = arith.constant 0 : i32
    %dma_wait3A_99 = tpu.memref_slice %arg3[%dma_wait3A_98] : memref<320000xi32, #tpu.memory_space<hbm>> -> memref<80xi32, #tpu.memory_space<hbm>>
    %dma_wait3A_100 = arith.constant 0 : i32
    %dma_wait3A_101 = tpu.memref_slice %arg3[%dma_wait3A_100] : memref<320000xi32, #tpu.memory_space<hbm>> -> memref<80xi32, #tpu.memory_space<hbm>>
    tpu.wait_dma2 semaphore(%arg30 : memref<!tpu.dma_semaphore, #tpu.memory_space<semaphore_mem>>) src(%dma_wait3A_101 : memref<80xi32, #tpu.memory_space<hbm>>) dst(%arg9 : memref<80xi32, #tpu.memory_space<vmem>>)
    %dma_wait3A_102 = arith.constant 0 : i32
    %dma_wait3A_103 = tpu.memref_slice %arg3[%dma_wait3A_102] : memref<320000xi32, #tpu.memory_space<hbm>> -> memref<80xi32, #tpu.memory_space<hbm>>
    %dma_wait3A_104 = arith.constant 0 : i32
    %dma_wait3A_105 = tpu.memref_slice %arg3[%dma_wait3A_104] : memref<320000xi32, #tpu.memory_space<hbm>> -> memref<80xi32, #tpu.memory_space<hbm>>
    tpu.wait_dma2 semaphore(%arg30 : memref<!tpu.dma_semaphore, #tpu.memory_space<semaphore_mem>>) src(%dma_wait3A_105 : memref<80xi32, #tpu.memory_space<hbm>>) dst(%arg13 : memref<80xi32, #tpu.memory_space<vmem>>)
    %dma_start3A_106 = arith.constant 0 : i32
    %dma_start3A_107 = arith.constant 0 : i32
    %dma_start3A_108 = tpu.memref_slice %arg2[%dma_start3A_106, %dma_start3A_107] : memref<10000x128xf32, #tpu.memory_space<hbm>> -> memref<10000x128xf32, #tpu.memory_space<hbm>>
    tpu.enqueue_indirect_dma source(%dma_start3A_108 : memref<10000x128xf32, #tpu.memory_space<hbm>>) target(%arg17 : memref<80x128xf32, #tpu.memory_space<vmem>>) offsets(%arg9 : memref<80xi32, #tpu.memory_space<vmem>>) semaphore(%arg22 : memref<!tpu.dma_semaphore, #tpu.memory_space<semaphore_mem>>)
    %dma_wait3A_109 = arith.constant 0 : i32
    %dma_wait3A_110 = arith.constant 0 : i32
    %dma_wait3A_111 = tpu.memref_slice %arg2[%dma_wait3A_109, %dma_wait3A_110] : memref<10000x128xf32, #tpu.memory_space<hbm>> -> memref<80x128xf32, #tpu.memory_space<hbm>>
    %dma_wait3A_112 = arith.constant 0 : i32
    %dma_wait3A_113 = arith.constant 0 : i32
    %dma_wait3A_114 = tpu.memref_slice %arg2[%dma_wait3A_112, %dma_wait3A_113] : memref<10000x128xf32, #tpu.memory_space<hbm>> -> memref<80x128xf32, #tpu.memory_space<hbm>>
    tpu.wait_dma2 semaphore(%arg21 : memref<!tpu.dma_semaphore, #tpu.memory_space<semaphore_mem>>) src(%dma_wait3A_114 : memref<80x128xf32, #tpu.memory_space<hbm>>) dst(%arg16 : memref<80x128xf32, #tpu.memory_space<vmem>>)
    %dma_start3A_115 = arith.constant 0 : i32
    %dma_start3A_116 = arith.constant 0 : i32
    %dma_start3A_117 = tpu.memref_slice %arg18[%dma_start3A_115, %dma_start3A_116] : memref<10240x128xf32, #tpu.memory_space<vmem_shared>> -> memref<10240x128xf32, #tpu.memory_space<vmem_shared>>
    tpu.enqueue_indirect_dma source(%arg16 : memref<80x128xf32, #tpu.memory_space<vmem>>) target(%dma_start3A_117 : memref<10240x128xf32, #tpu.memory_space<vmem_shared>>) offsets(%arg12 : memref<80xi32, #tpu.memory_space<vmem>>) semaphore(%arg25 : memref<!tpu.dma_semaphore, #tpu.memory_space<semaphore_mem>>) {add = true}
    %dma_wait3A_118 = arith.constant 0 : i32
    %dma_wait3A_119 = arith.constant 0 : i32
    %dma_wait3A_120 = tpu.memref_slice %arg18[%dma_wait3A_118, %dma_wait3A_119] : memref<10240x128xf32, #tpu.memory_space<vmem_shared>> -> memref<80x128xf32, #tpu.memory_space<vmem_shared>>
    %dma_wait3A_121 = arith.constant 0 : i32
    %dma_wait3A_122 = arith.constant 0 : i32
    %dma_wait3A_123 = tpu.memref_slice %arg18[%dma_wait3A_121, %dma_wait3A_122] : memref<10240x128xf32, #tpu.memory_space<vmem_shared>> -> memref<80x128xf32, #tpu.memory_space<vmem_shared>>
    tpu.wait_dma2 semaphore(%arg23 : memref<!tpu.dma_semaphore, #tpu.memory_space<semaphore_mem>>) src(%arg14 : memref<80x128xf32, #tpu.memory_space<vmem>>) dst(%dma_wait3A_123 : memref<80x128xf32, #tpu.memory_space<vmem_shared>>)
    %add3A_124 = arith.constant 9920 : i32
    %add3A_125 = arith.addi %mul3A_2, %add3A_124 : i32
    %dma_start3A_126 = tpu.memref_slice %arg3[%add3A_125] : memref<320000xi32, #tpu.memory_space<hbm>> -> memref<80xi32, #tpu.memory_space<hbm>>
    %dma_start3A_127 = tpu.memref_slice %arg3[%add3A_125] : memref<320000xi32, #tpu.memory_space<hbm>> -> memref<80xi32, #tpu.memory_space<hbm>>
    tpu.enqueue_dma source(%dma_start3A_127 : memref<80xi32, #tpu.memory_space<hbm>>) target(%arg6 : memref<80xi32, #tpu.memory_space<vmem>>) target_semaphore(%arg27 : memref<!tpu.dma_semaphore, #tpu.memory_space<semaphore_mem>>)
    %add3A_128 = arith.constant 9920 : i32
    %add3A_129 = arith.addi %mul3A_2, %add3A_128 : i32
    %dma_start3A_130 = tpu.memref_slice %arg4[%add3A_129] : memref<320000xi32, #tpu.memory_space<hbm>> -> memref<80xi32, #tpu.memory_space<hbm>>
    %dma_start3A_131 = tpu.memref_slice %arg4[%add3A_129] : memref<320000xi32, #tpu.memory_space<hbm>> -> memref<80xi32, #tpu.memory_space<hbm>>
    tpu.enqueue_dma source(%dma_start3A_131 : memref<80xi32, #tpu.memory_space<hbm>>) target(%arg10 : memref<80xi32, #tpu.memory_space<vmem>>) target_semaphore(%arg27 : memref<!tpu.dma_semaphore, #tpu.memory_space<semaphore_mem>>)
    %dma_wait3A_132 = arith.constant 0 : i32
    %dma_wait3A_133 = tpu.memref_slice %arg3[%dma_wait3A_132] : memref<320000xi32, #tpu.memory_space<hbm>> -> memref<80xi32, #tpu.memory_space<hbm>>
    %dma_wait3A_134 = arith.constant 0 : i32
    %dma_wait3A_135 = tpu.memref_slice %arg3[%dma_wait3A_134] : memref<320000xi32, #tpu.memory_space<hbm>> -> memref<80xi32, #tpu.memory_space<hbm>>
    tpu.wait_dma2 semaphore(%arg27 : memref<!tpu.dma_semaphore, #tpu.memory_space<semaphore_mem>>) src(%dma_wait3A_135 : memref<80xi32, #tpu.memory_space<hbm>>) dst(%arg6 : memref<80xi32, #tpu.memory_space<vmem>>)
    %dma_wait3A_136 = arith.constant 0 : i32
    %dma_wait3A_137 = tpu.memref_slice %arg3[%dma_wait3A_136] : memref<320000xi32, #tpu.memory_space<hbm>> -> memref<80xi32, #tpu.memory_space<hbm>>
    %dma_wait3A_138 = arith.constant 0 : i32
    %dma_wait3A_139 = tpu.memref_slice %arg3[%dma_wait3A_138] : memref<320000xi32, #tpu.memory_space<hbm>> -> memref<80xi32, #tpu.memory_space<hbm>>
    tpu.wait_dma2 semaphore(%arg27 : memref<!tpu.dma_semaphore, #tpu.memory_space<semaphore_mem>>) src(%dma_wait3A_139 : memref<80xi32, #tpu.memory_space<hbm>>) dst(%arg10 : memref<80xi32, #tpu.memory_space<vmem>>)
    %dma_start3A_140 = arith.constant 0 : i32
    %dma_start3A_141 = arith.constant 0 : i32
    %dma_start3A_142 = tpu.memref_slice %arg2[%dma_start3A_140, %dma_start3A_141] : memref<10000x128xf32, #tpu.memory_space<hbm>> -> memref<10000x128xf32, #tpu.memory_space<hbm>>
    tpu.enqueue_indirect_dma source(%dma_start3A_142 : memref<10000x128xf32, #tpu.memory_space<hbm>>) target(%arg14 : memref<80x128xf32, #tpu.memory_space<vmem>>) offsets(%arg6 : memref<80xi32, #tpu.memory_space<vmem>>) semaphore(%arg19 : memref<!tpu.dma_semaphore, #tpu.memory_space<semaphore_mem>>)
    %dma_wait3A_143 = arith.constant 0 : i32
    %dma_wait3A_144 = arith.constant 0 : i32
    %dma_wait3A_145 = tpu.memref_slice %arg2[%dma_wait3A_143, %dma_wait3A_144] : memref<10000x128xf32, #tpu.memory_space<hbm>> -> memref<80x128xf32, #tpu.memory_space<hbm>>
    %dma_wait3A_146 = arith.constant 0 : i32
    %dma_wait3A_147 = arith.constant 0 : i32
    %dma_wait3A_148 = tpu.memref_slice %arg2[%dma_wait3A_146, %dma_wait3A_147] : memref<10000x128xf32, #tpu.memory_space<hbm>> -> memref<80x128xf32, #tpu.memory_space<hbm>>
    tpu.wait_dma2 semaphore(%arg22 : memref<!tpu.dma_semaphore, #tpu.memory_space<semaphore_mem>>) src(%dma_wait3A_148 : memref<80x128xf32, #tpu.memory_space<hbm>>) dst(%arg17 : memref<80x128xf32, #tpu.memory_space<vmem>>)
    %dma_start3A_149 = arith.constant 0 : i32
    %dma_start3A_150 = arith.constant 0 : i32
    %dma_start3A_151 = tpu.memref_slice %arg18[%dma_start3A_149, %dma_start3A_150] : memref<10240x128xf32, #tpu.memory_space<vmem_shared>> -> memref<10240x128xf32, #tpu.memory_space<vmem_shared>>
    tpu.enqueue_indirect_dma source(%arg17 : memref<80x128xf32, #tpu.memory_space<vmem>>) target(%dma_start3A_151 : memref<10240x128xf32, #tpu.memory_space<vmem_shared>>) offsets(%arg13 : memref<80xi32, #tpu.memory_space<vmem>>) semaphore(%arg26 : memref<!tpu.dma_semaphore, #tpu.memory_space<semaphore_mem>>) {add = true}
    %dma_wait3A_152 = arith.constant 0 : i32
    %dma_wait3A_153 = arith.constant 0 : i32
    %dma_wait3A_154 = tpu.memref_slice %arg18[%dma_wait3A_152, %dma_wait3A_153] : memref<10240x128xf32, #tpu.memory_space<vmem_shared>> -> memref<80x128xf32, #tpu.memory_space<vmem_shared>>
    %dma_wait3A_155 = arith.constant 0 : i32
    %dma_wait3A_156 = arith.constant 0 : i32
    %dma_wait3A_157 = tpu.memref_slice %arg18[%dma_wait3A_155, %dma_wait3A_156] : memref<10240x128xf32, #tpu.memory_space<vmem_shared>> -> memref<80x128xf32, #tpu.memory_space<vmem_shared>>
    tpu.wait_dma2 semaphore(%arg24 : memref<!tpu.dma_semaphore, #tpu.memory_space<semaphore_mem>>) src(%arg15 : memref<80x128xf32, #tpu.memory_space<vmem>>) dst(%dma_wait3A_157 : memref<80x128xf32, #tpu.memory_space<vmem_shared>>)
    %dma_wait3A_158 = arith.constant 0 : i32
    %dma_wait3A_159 = arith.constant 0 : i32
    %dma_wait3A_160 = tpu.memref_slice %arg2[%dma_wait3A_158, %dma_wait3A_159] : memref<10000x128xf32, #tpu.memory_space<hbm>> -> memref<80x128xf32, #tpu.memory_space<hbm>>
    %dma_wait3A_161 = arith.constant 0 : i32
    %dma_wait3A_162 = arith.constant 0 : i32
    %dma_wait3A_163 = tpu.memref_slice %arg2[%dma_wait3A_161, %dma_wait3A_162] : memref<10000x128xf32, #tpu.memory_space<hbm>> -> memref<80x128xf32, #tpu.memory_space<hbm>>
    tpu.wait_dma2 semaphore(%arg19 : memref<!tpu.dma_semaphore, #tpu.memory_space<semaphore_mem>>) src(%dma_wait3A_163 : memref<80x128xf32, #tpu.memory_space<hbm>>) dst(%arg14 : memref<80x128xf32, #tpu.memory_space<vmem>>)
    %dma_start3A_164 = arith.constant 0 : i32
    %dma_start3A_165 = arith.constant 0 : i32
    %dma_start3A_166 = tpu.memref_slice %arg18[%dma_start3A_164, %dma_start3A_165] : memref<10240x128xf32, #tpu.memory_space<vmem_shared>> -> memref<10240x128xf32, #tpu.memory_space<vmem_shared>>
    tpu.enqueue_indirect_dma source(%arg14 : memref<80x128xf32, #tpu.memory_space<vmem>>) target(%dma_start3A_166 : memref<10240x128xf32, #tpu.memory_space<vmem_shared>>) offsets(%arg10 : memref<80xi32, #tpu.memory_space<vmem>>) semaphore(%arg23 : memref<!tpu.dma_semaphore, #tpu.memory_space<semaphore_mem>>) {add = true}
    %dma_wait3A_167 = arith.constant 0 : i32
    %dma_wait3A_168 = arith.constant 0 : i32
    %dma_wait3A_169 = tpu.memref_slice %arg18[%dma_wait3A_167, %dma_wait3A_168] : memref<10240x128xf32, #tpu.memory_space<vmem_shared>> -> memref<80x128xf32, #tpu.memory_space<vmem_shared>>
    %dma_wait3A_170 = arith.constant 0 : i32
    %dma_wait3A_171 = arith.constant 0 : i32
    %dma_wait3A_172 = tpu.memref_slice %arg18[%dma_wait3A_170, %dma_wait3A_171] : memref<10240x128xf32, #tpu.memory_space<vmem_shared>> -> memref<80x128xf32, #tpu.memory_space<vmem_shared>>
    tpu.wait_dma2 semaphore(%arg25 : memref<!tpu.dma_semaphore, #tpu.memory_space<semaphore_mem>>) src(%arg16 : memref<80x128xf32, #tpu.memory_space<vmem>>) dst(%dma_wait3A_172 : memref<80x128xf32, #tpu.memory_space<vmem_shared>>)
    %dma_wait3A_173 = arith.constant 0 : i32
    %dma_wait3A_174 = arith.constant 0 : i32
    %dma_wait3A_175 = tpu.memref_slice %arg18[%dma_wait3A_173, %dma_wait3A_174] : memref<10240x128xf32, #tpu.memory_space<vmem_shared>> -> memref<80x128xf32, #tpu.memory_space<vmem_shared>>
    %dma_wait3A_176 = arith.constant 0 : i32
    %dma_wait3A_177 = arith.constant 0 : i32
    %dma_wait3A_178 = tpu.memref_slice %arg18[%dma_wait3A_176, %dma_wait3A_177] : memref<10240x128xf32, #tpu.memory_space<vmem_shared>> -> memref<80x128xf32, #tpu.memory_space<vmem_shared>>
    tpu.wait_dma2 semaphore(%arg26 : memref<!tpu.dma_semaphore, #tpu.memory_space<semaphore_mem>>) src(%arg17 : memref<80x128xf32, #tpu.memory_space<vmem>>) dst(%dma_wait3A_178 : memref<80x128xf32, #tpu.memory_space<vmem_shared>>)
    %dma_wait3A_179 = arith.constant 0 : i32
    %dma_wait3A_180 = arith.constant 0 : i32
    %dma_wait3A_181 = tpu.memref_slice %arg18[%dma_wait3A_179, %dma_wait3A_180] : memref<10240x128xf32, #tpu.memory_space<vmem_shared>> -> memref<80x128xf32, #tpu.memory_space<vmem_shared>>
    %dma_wait3A_182 = arith.constant 0 : i32
    %dma_wait3A_183 = arith.constant 0 : i32
    %dma_wait3A_184 = tpu.memref_slice %arg18[%dma_wait3A_182, %dma_wait3A_183] : memref<10240x128xf32, #tpu.memory_space<vmem_shared>> -> memref<80x128xf32, #tpu.memory_space<vmem_shared>>
    tpu.wait_dma2 semaphore(%arg23 : memref<!tpu.dma_semaphore, #tpu.memory_space<semaphore_mem>>) src(%arg14 : memref<80x128xf32, #tpu.memory_space<vmem>>) dst(%dma_wait3A_184 : memref<80x128xf32, #tpu.memory_space<vmem_shared>>)
    %barrier3A_185 = arith.constant 0 : index
    tpu.barrier barrier_id(%barrier3A_185)
    %mul3A_186 = arith.constant 640 : i32
    %mul3A_187 = arith.muli %arg1, %mul3A_186 : i32
    %mul3A_188 = arith.constant 640 : i32
    %mul3A_189 = arith.muli %arg1, %mul3A_188 : i32
    "tpu.region"() ({
      %run_scoped3A = tpu.sem_alloc : memref<!tpu.dma_semaphore, #tpu.memory_space<semaphore_mem>>
      %dma_start3A_190 = arith.constant 0 : i32
      %dma_start3A_191 = tpu.memref_slice %arg5[%arg0, %mul3A_189, %dma_start3A_190] : memref<2x10240x128xf32, #tpu.memory_space<hbm>> -> memref<1x640x128xf32, #tpu.memory_space<hbm>>
      %dma_start3A_192 = tpu.memref_squeeze %dma_start3A_191 : memref<1x640x128xf32, #tpu.memory_space<hbm>> -> memref<640x128xf32, #tpu.memory_space<hbm>>
      %dma_start3A_193 = arith.constant 0 : i32
      %dma_start3A_194 = tpu.memref_slice %arg18[%mul3A_187, %dma_start3A_193] : memref<10240x128xf32, #tpu.memory_space<vmem_shared>> -> memref<640x128xf32, #tpu.memory_space<vmem_shared>>
      tpu.enqueue_dma source(%dma_start3A_194 : memref<640x128xf32, #tpu.memory_space<vmem_shared>>) target(%dma_start3A_192 : memref<640x128xf32, #tpu.memory_space<hbm>>) target_semaphore(%run_scoped3A : memref<!tpu.dma_semaphore, #tpu.memory_space<semaphore_mem>>)
      %dma_wait3A_195 = arith.constant 0 : i32
      %dma_wait3A_196 = tpu.memref_slice %arg5[%arg0, %mul3A_189, %dma_wait3A_195] : memref<2x10240x128xf32, #tpu.memory_space<hbm>> -> memref<1x640x128xf32, #tpu.memory_space<hbm>>
      %dma_wait3A_197 = tpu.memref_squeeze %dma_wait3A_196 : memref<1x640x128xf32, #tpu.memory_space<hbm>> -> memref<640x128xf32, #tpu.memory_space<hbm>>
      %dma_wait3A_198 = arith.constant 0 : i32
      %dma_wait3A_199 = tpu.memref_slice %arg18[%mul3A_187, %dma_wait3A_198] : memref<10240x128xf32, #tpu.memory_space<vmem_shared>> -> memref<640x128xf32, #tpu.memory_space<vmem_shared>>
      tpu.wait_dma2 semaphore(%run_scoped3A : memref<!tpu.dma_semaphore, #tpu.memory_space<semaphore_mem>>) src(%dma_wait3A_199 : memref<640x128xf32, #tpu.memory_space<vmem_shared>>) dst(%dma_wait3A_197 : memref<640x128xf32, #tpu.memory_space<hbm>>)
      tpu.yield
    }) : () -> ()
    return
  }
}

module attributes {stable_mosaic.version = 14 : i64} {
  func.func @body(%arg0: i32, %arg1: memref<1x10000x128xf32, #tpu.memory_space<vmem>>, %arg2: memref<1x10000x128xf32, #tpu.memory_space<vmem>>, %arg3: memref<128x128xf32, #tpu.memory_space<vmem>>, %arg4: memref<1x128xf32, #tpu.memory_space<vmem>>, %arg5: memref<10000x128xf32, #tpu.memory_space<vmem>>) attributes {dimension_semantics = [#tpu.dimension_semantics<arbitrary>], iteration_bounds = array<i64: 1>, scalar_prefetch = 0 : i64, scratch_operands = 0 : i64, tpu.core_type = #tpu.core_type<tc>, window_params = [{transform_indices = @transform_0, window_bounds = array<i64: 1, 10000, 128>}, {transform_indices = @transform_1, window_bounds = array<i64: 1, 10000, 128>}, {pipeline_mode = #tpu.pipeline_mode<synchronous>, transform_indices = @transform_2, window_bounds = array<i64: 128, 128>}, {pipeline_mode = #tpu.pipeline_mode<synchronous>, transform_indices = @transform_3, window_bounds = array<i64: 1, 128>}, {transform_indices = @transform_4, window_bounds = array<i64: 10000, 128>}]} {
    %get3A = arith.constant 0 : index
    %get3A_0 = arith.constant 0 : index
    %get3A_1 = arith.constant 0 : index
    %get3A_2 = vector.load %arg1[%get3A, %get3A_0, %get3A_1] : memref<1x10000x128xf32, #tpu.memory_space<vmem>>, vector<1x10000x128xf32>
    %get3A_3 = vector.shape_cast %get3A_2 : vector<1x10000x128xf32> to vector<10000x128xf32>
    %get3A_4 = arith.constant 0 : index
    %get3A_5 = arith.constant 0 : index
    %get3A_6 = arith.constant 0 : index
    %get3A_7 = vector.load %arg2[%get3A_4, %get3A_5, %get3A_6] : memref<1x10000x128xf32, #tpu.memory_space<vmem>>, vector<1x10000x128xf32>
    %get3A_8 = vector.shape_cast %get3A_7 : vector<1x10000x128xf32> to vector<10000x128xf32>
    %add3A = arith.addf %get3A_3, %get3A_8 : vector<10000x128xf32>
    %get3A_9 = arith.constant 0 : index
    %get3A_10 = arith.constant 0 : index
    %get3A_11 = vector.load %arg3[%get3A_9, %get3A_10] : memref<128x128xf32, #tpu.memory_space<vmem>>, vector<128x128xf32>
    %dot_general3A = arith.constant dense<0.000000e+00> : vector<10000x128xf32>
    %dot_general3A_12 = tpu.matmul %add3A, %get3A_11, %dot_general3A {dimension_numbers = #tpu.dot_dimension_numbers<[1], [1], [0], [0], [0, 0, 1, 0], [], []>, transpose_lhs_hint = false} : vector<10000x128xf32>, vector<128x128xf32>, vector<10000x128xf32> -> vector<10000x128xf32>
    %get3A_13 = arith.constant 0 : index
    %get3A_14 = arith.constant 0 : index
    %get3A_15 = vector.load %arg4[%get3A_13, %get3A_14] : memref<1x128xf32, #tpu.memory_space<vmem>>, vector<1x128xf32>
    %add3A_16 = vector.broadcast %get3A_15 : vector<1x128xf32> to vector<10000x128xf32>
    %add3A_17 = arith.addf %dot_general3A_12, %add3A_16 : vector<10000x128xf32>
    %swap3A = arith.constant 0 : index
    %swap3A_18 = arith.constant 0 : index
    %swap3A_19 = vector.load %arg5[%swap3A, %swap3A_18] : memref<10000x128xf32, #tpu.memory_space<vmem>>, vector<10000x128xf32>
    tpu.vector_store %arg5[%swap3A, %swap3A_18], %add3A_17 {strides = array<i32>} : memref<10000x128xf32, #tpu.memory_space<vmem>>, vector<10000x128xf32>,
    return
  }
  func.func @transform_0(%arg0: i32) -> (i32, i32, i32) {
    %c0_i32 = arith.constant 0 : i32
    %c0_i32_0 = arith.constant 0 : i32
    %c0_i32_1 = arith.constant 0 : i32
    return %c0_i32, %arg0, %c0_i32_0 : i32, i32, i32
  }
  func.func @transform_1(%arg0: i32) -> (i32, i32, i32) {
    %c1_i32 = arith.constant 1 : i32
    %c0_i32 = arith.constant 0 : i32
    %c0_i32_0 = arith.constant 0 : i32
    return %c1_i32, %arg0, %c0_i32 : i32, i32, i32
  }
  func.func @transform_2(%arg0: i32) -> (i32, i32) {
    %c0_i32 = arith.constant 0 : i32
    %c0_i32_0 = arith.constant 0 : i32
    %c0_i32_1 = arith.constant 0 : i32
    return %c0_i32, %c0_i32_0 : i32, i32
  }
  func.func @transform_3(%arg0: i32) -> (i32, i32) {
    %c0_i32 = arith.constant 0 : i32
    %c0_i32_0 = arith.constant 0 : i32
    %c0_i32_1 = arith.constant 0 : i32
    return %c0_i32, %c0_i32_0 : i32, i32
  }
  func.func @transform_4(%arg0: i32) -> (i32, i32) {
    %c0_i32 = arith.constant 0 : i32
    %c0_i32_0 = arith.constant 0 : i32
    return %arg0, %c0_i32 : i32, i32
  }
}

</mosaic_0001>

<sc_bundles>
// kernel: kernel.4.cloned.1.call-start
scs
__scs_entry_jumppad:
0x0: {  	(pc) =	sbr.rel $0x88, $3  }
0x1: {  	(tag) =	ssettag $0x0;
	lr =	simm.s32 $0x1  }
0x2: {  	[smem:$0x3F9D] =	sst lr;
	_ =	strace $0xD0000000  }
0x3: {  	_ = 	snop  }
0x4: {  	_ = 	snop  }
0x5: {  	_ = 	snop  }
0x6: {  	_ = 	snop  }
0x7: {  	_ = 	snop  }
__scs_overlays_trampoline_lowered:
0x8: {  	[smem:$0x3FAC] =	sst s0  }
0x9: {  	[smem:$0x3FAD] =	sst s1  }
0xa: {  	[smem:$0x3FAE] =	sst s2  }
0xb: {  	[smem:$0x3FAF] =	sst s3  }
0xc: {  	[smem:$0x3FB0] =	sst s4  }
0xd: {  	[smem:$0x3FB1] =	sst s5  }
0xe: {  	[smem:$0x3FB2] =	sst s6  }
0xf: {  	[smem:$0x3FB3] =	sst s7  }
0x10: {  	[smem:$0x3FB4] =	sst s8  }
0x11: {  	[smem:$0x3FB5] =	sst s9;
	s0 =	simm.s32 @!p0 $0x0  }
0x12: {  	s1 =	sld [smem:$0x3F9B];
	s0 =	simm.s32 @p0 $0x1  }
0x13: {  	[smem:$0x3FB6] =	sst s0;
	s0 =	simm.s32 @!p1 $0x0  }
0x14: {  	s2 =	sld [smem:$0x3F9A];
	s0 =	simm.s32 @p1 $0x1  }
0x15: {  	[smem:$0x3FB7] =	sst s0;
	s0 =	simm.s32 @!p2 $0x0  }
0x16: {  	s3 =	sld [smem:$0x3FDB];
	s0 =	simm.s32 @p2 $0x1  }
0x17: {  	s4 =	simm.s32 $0x1BF5;
	[smem:$0x3FB9] =	sst s0  }
0x18: {  	s0 =	sld [smem:$0x3F9C];
	_ =	swait.ge [sflag:s4], $0x0  }
0x19: {  	s7 =	sld [smem:$0x3F9D]  }
0x1a: {  	s8 =	sadd.s32 $0xFFFFE003, lr  }
0x1b: {  	s9 =	sadd.s32 $0xFFFFFEF7, lr;
	s5 =	simm.s32 $0xFFFFFFFF;
	p2 =	slt.u32 s8, $0xFFFFF086  }
0x1c: {  	p1 =	slt.u32 s9, $0xF7A;
	s5 =	simm.s32 @!p2 $0x0  }
0x1d: {  	s5 =	simm.s32 @p1 $0x1;
	p0 =	seq.s32 s7, s2  }
0x1e: {  	s7 =	smul.u32 @!p0 $0xF7A, s2;
	p2 =	seq.s32 @!p0 s5, $0x0  }
0x1f: {  	s9 =	smul.u32 $0xF7A, s1;
	s8 =	simm.s32 @!p0 $0x1BF5;
	p2 =	por !p2, p0  }
0x20: {  	[sflag:s8] =	ssyncset.s32 @!p0 $0xFFFFF086;
	s6 =	sadd.s32 @!p0 s3, s7;
	s7 =	simm.s32 @!p0 $0x108  }
0x21: {  	s3 =	sadd.s32 s3, s9;
	s6 =	sadd.s32 @!p0 $0x88, s6;
	s7 =	simm.s32 @p2 $0x1082  }
0x22: {  	[simem:s7], [sflag:s8] =	dma.local @!p0 [hbm:s6], $0xF7A  }
0x23: {  	s9 =	sor.u32 $0xD0000000, s2;
	s6 =	simm.s32 $0x108;
	_ =	swait.ge @!p0 [sflag:s8], $0x0  }
0x24: {  	s3 =	sadd.s32 $0x88, s3;
	s6 =	simm.s32 @!p1 $0x1082;
	[sflag:s4] =	ssyncset.s32 $0xFFFFF086  }
0x25: {  	[simem:s6], [sflag:s4] =	dma.local [hbm:s3], $0xF7A  }
0x26: {  	[smem:$0x3F9D] =	sst s1;
	(tag) =	ssettag s2;
	_ =	strace s9  }
0x27: {  	s1 =	sld [smem:$0x3FAD]  }
0x28: {  	s2 =	sld [smem:$0x3FAE]  }
0x29: {  	s4 =	sld [smem:$0x3FB0]  }
0x2a: {  	p0 =	seq.s32 s5, $0x0;
	s5 =	sld [smem:$0x3FB1]  }
0x2b: {  	s6 =	sld [smem:$0x3FB2]  }
0x2c: {  	s7 =	sld [smem:$0x3FB3]  }
0x2d: {  	s3 =	simm.s32 $0x108;
	s8 =	sld [smem:$0x3FB4]  }
0x2e: {  	s3 =	simm.s32 @!p0 $0x1082;
	s9 =	sld [smem:$0x3FB5]  }
0x2f: {  	lr =	sadd.s32 s0, s3;
	s0 =	sld [smem:$0x3FAC]  }
0x30: {  	s3 =	sld [smem:$0x3FAF]  }
0x31: {  	[smem:$0x3FB8] =	sst s10  }
0x32: {  	s10 =	sld [smem:$0x3FB6];
	_ =	sdelay $0x3  }
0x33: {  	p0 =	seq.s32 s10, $0x1;
	s10 =	sld [smem:$0x3FB8];
	_ =	sdelay $0x3  }
0x34: {  	[smem:$0x3FB8] =	sst s10  }
0x35: {  	s10 =	sld [smem:$0x3FB7];
	_ =	sdelay $0x3  }
0x36: {  	p1 =	seq.s32 s10, $0x1;
	s10 =	sld [smem:$0x3FB8];
	_ =	sdelay $0x3  }
0x37: {  	[smem:$0x3FB8] =	sst s10  }
0x38: {  	s10 =	sld [smem:$0x3FB9]  }
0x39: {  	_ = 	snop;
	(pc) =	sbr.ind lr, $3  }
0x3a: {  	_ = 	snop  }
0x3b: {  	_ = 	snop  }
0x3c: {  	p2 =	seq.s32 s10, $0x1;
	s10 =	sld [smem:$0x3FB8]  }
0x3d: {  	_ =	shalt  }
0x3e: {  	_ =	shalt  }
0x3f: {  	_ =	shalt  }
0x40: {  	_ =	shalt  }
0x41: {  	_ =	shalt  }
0x42: {  	_ =	shalt  }
0x43: {  	_ =	shalt  }
0x44: {  	_ =	shalt  }
0x45: {  	_ =	shalt  }
0x46: {  	_ =	shalt  }
0x47: {  	_ =	shalt  }
0x48: {  	_ =	shalt  }
0x49: {  	_ =	shalt  }
0x4a: {  	_ =	shalt  }
0x4b: {  	_ =	shalt  }
0x4c: {  	_ =	shalt  }
0x4d: {  	_ =	shalt  }
0x4e: {  	_ =	shalt  }
0x4f: {  	_ =	shalt  }
0x50: {  	_ =	shalt  }
0x51: {  	_ =	shalt  }
0x52: {  	_ =	shalt  }
0x53: {  	_ =	shalt  }
0x54: {  	_ =	shalt  }
0x55: {  	_ =	shalt  }
0x56: {  	_ =	shalt  }
0x57: {  	_ =	shalt  }
0x58: {  	_ =	shalt  }
0x59: {  	_ =	shalt  }
0x5a: {  	_ =	shalt  }
0x5b: {  	_ =	shalt  }
0x5c: {  	_ =	shalt  }
0x5d: {  	_ =	shalt  }
0x5e: {  	_ =	shalt  }
0x5f: {  	_ =	shalt  }
0x60: {  	_ =	shalt  }
0x61: {  	_ =	shalt  }
0x62: {  	_ =	shalt  }
0x63: {  	_ =	shalt  }
0x64: {  	_ =	shalt  }
0x65: {  	_ =	shalt  }
0x66: {  	_ =	shalt  }
0x67: {  	_ =	shalt  }
0x68: {  	_ =	shalt  }
0x69: {  	_ =	shalt  }
0x6a: {  	_ =	shalt  }
0x6b: {  	_ =	shalt  }
0x6c: {  	_ =	shalt  }
0x6d: {  	_ =	shalt  }
0x6e: {  	_ =	shalt  }
0x6f: {  	_ =	shalt  }
0x70: {  	_ =	shalt  }
0x71: {  	_ =	shalt  }
0x72: {  	_ =	shalt  }
0x73: {  	_ =	shalt  }
0x74: {  	_ =	shalt  }
0x75: {  	_ =	shalt  }
0x76: {  	_ =	shalt  }
0x77: {  	_ =	shalt  }
0x78: {  	_ =	shalt  }
0x79: {  	_ =	shalt  }
0x7a: {  	_ =	shalt  }
0x7b: {  	_ =	shalt  }
0x7c: {  	_ =	shalt  }
0x7d: {  	_ =	shalt  }
0x7e: {  	_ =	shalt  }
0x7f: {  	_ =	shalt  }
0x80: {  	_ =	shalt  }
0x81: {  	_ =	shalt  }
0x82: {  	_ =	shalt  }
0x83: {  	_ =	shalt  }
0x84: {  	_ =	shalt  }
0x85: {  	_ =	shalt  }
0x86: {  	_ =	shalt  }
0x87: {  	_ =	shalt  }
.Lfunc_end0:
.L_simem_size_0:
called_computation_lowered:
.L_overlay_start_0:
0x88: {  	s2 =	sld [smem:$0x3FD9]  }
0x89: {  	s3 =	sld [smem:$0x3FFE];
	_ =	sdelay $0x1  }
0x8a: {  	s1 =	srdreg.scid  }
0x8b: {  	s0 =	sand.u32 $0x1, s1  }
0x8c: {  	s17 =	sshll.u32 s0, $0xA;
	s2 =	sadd.s32 s3, s2  }
0x8d: {  	s2 =	sadd.s32 s2, s17  }
0x8e: {  	[smem:$0x3FC4] =	sst s2  }
0x8f: {  	_ = 	snop  }
0x90: {  	s2 =	sld [smem:$0x3FC9]  }
0x91: {  	s18 =	sld [smem:$0x3FD0];
	(tm) =	ssettm $0x1  }
0x92: {  	s4 =	sld [smem:$0x3FFB];
	_ =	sdelay $0x3  }
0x93: {  	_ =	strace s4  }
0x94: {  	s4 =	sld [smem:$0x3FFC];
	_ =	sdelay $0x3  }
0x95: {  	_ =	strace s4  }
0x96: {  	s4 =	sld [smem:$0x3FFD];
	_ =	sdelay $0x3  }
0x97: {  	_ =	strace s4  }
0x98: {  	_ =	strace $0x8FFFFFFF  }
0x99: {  	s19 =	sld [smem:$0x3FDB];
	_ =	sdelay $0x1  }
0x9a: {  	s5 =	simm.s32 $_scs_section_size  }
0x9b: {  	s6 =	simm.s32 $_size__tile_overlayer_lowered;
	s7 =	simm.s32 $_tile_overlayer_lowered  }
0x9c: {  	s22 =	simm.s32 $0x1BFF;
	s21 =	sshll.u32 s7, $0x1;
	s4 =	sadd.s32 s5, s19  }
0x9d: {  	s8 =	simm.s32 $0x0;
	s20 =	sshll.u32 s6, $0x1;
	s6 =	sadd.s32 s21, s4  }
0x9e: {  	[timem:s8], [sflag:s22] =	dma.local [hbm:s6], s20  }
0x9f: {  	_ =	swait.ge [sflag:s22], s20  }
0xa0: {  	s5 =	ssub.s32 $0x0, s20;
	[sflag:s22] =	ssyncset.done $0x0  }
0xa1: {  	[sflag:s22] =	ssyncadd.s32 s5;
	_ =	sdelay $0x1  }
0xa2: {  	s23 =	simm.s32 $0x1B8B  }
0xa3: {  	_ =	swait.ge [sflag:s23], $0x1  }
0xa4: {  	[sflag:s23] =	ssyncset.done $0x0  }
0xa5: {  	s25 =	simm.s32 $0x1B8E;
	s24 =	sld [smem:$0x3FFE];
	[sflag:s23] =	ssyncadd.s32 $0xFFFFFFFF  }
0xa6: {  	s26 =	simm.s32 $execute0_lowered;
	[smem:$0x3FD2] =	sst s25  }
0xa7: {  	s6 =	sshll.u32 s26, $0x1;
	_ =	strace $0x80000046;
	[dreg:$0x1] =	wrdreg $0xFFFFFFFF  }
0xa8: {  	s28 =	simm.s32 $_size_execute0_lowered;
	s4 =	sadd.s32 s4, s6;
	[dreg:$0x0] =	wrdreg $0x0  }
0xa9: {  	s6 =	sshll.u32 s28, $0x1;
	[dreg:$0x2] =	wrdreg s4  }
0xaa: {  	[dreg:$0x3] =	wrdreg s6  }
0xab: {  	[dreg:$0x4] =	wrdreg $0xC0  }
0xac: {  	_ =	task [dreg:s8], $0x5FFFF  }
0xad: {  	[dreg:$0x1] =	wrdreg $0xFFFFFFFF  }
0xae: {  	[dreg:$0x0] =	wrdreg $0x60  }
0xaf: {  	[dreg:$0x2] =	wrdreg s2  }
0xb0: {  	[dreg:$0x3] =	wrdreg s24  }
0xb1: {  	[dreg:$0x4] =	wrdreg s18  }
0xb2: {  	[dreg:$0x5] =	wrdreg $0xA4000  }
0xb3: {  	[dreg:$0x6] =	wrdreg $0x9  }
0xb4: {  	_ =	task.clear_ibuf [dreg:s8], $0x7FFFF;
	_ =	strace $0x90000046  }
0xb5: {  	s29 =	simm.s32 $0x9;
	_ =	strace $0x80000048  }
0xb6: {  	_ =	swait.ge [sflag:s29], $0x1  }
0xb7: {  	[sflag:s29] =	ssyncadd.s32 $0xFFFFFFFF  }
0xb8: {  	_ =	strace $0x90000048  }
0xb9: {  	_ =	sfence  }
0xba: {  	s30 =	sld [smem:$0x0];
	_ =	sdelay $0x2  }
0xbb: {  	s31 =	sshll.u32 s1, $0xD;
	s1 =	sshrl.u32 s1, $0x2  }
0xbc: {  	s3 =	sand.u32 $0x4000, s31;
	s1 =	sadd.s32 s1, s30  }
0xbd: {  	s0 =	sor.u32 s3, s0;
	s1 =	sshll.u32 s1, $0x11  }
0xbe: {  	s0 =	sor.u32 s1, s0  }
0xbf: {  	s0 =	sadd.s32 $0x8F2B, s0  }
0xc0: {  	[sflag:s0] =	ssyncadd.remote.s32 $0x1  }
0xc1: {  	_ =	sfence.sel $0xFFFF  }
0xc2: {  	[dreg:$0x0] =	wrdreg $0xFFFFFFFF;
	(pc) =	sbr.abs _section_cstart, $3  }
0xc3: {  	[dreg:$0x1] =	wrdreg $0xFFFFFFFF  }
0xc4: {  	_ =	task.clear_ibuf [dreg:s8], $0x2FFFF;
	_ =	strace $0x9FFFFFFF  }
0xc5: {  	(tm) =	ssettm $0x7FFFFFFF  }
tec
execute0_lowered:
.L_overlay_start_1:
0x0: {  	(tag) =	ssettag $0x1  }
0x1: {  	s4 =	rddreg [dreg:$0x0]  }
0x2: {  	s0 =	rddreg [dreg:$0x1]  }
0x3: {  	s26 =	rddreg [dreg:$0x2]  }
0x4: {  	s31 =	rddreg [dreg:$0x3];
	s10 =	stileid.u32  }
0x5: {  	s2 =	srdreg.scid;
	s6 =	smul.u32 $0x14000, s10  }
0x6: {  	s5 =	simm.s32 $0x0;
	s2 =	sand.u32 $0x1, s2;
	s20 =	smul.u32 $0x2710, s10  }
0x7: {  	s28 =	simm.s32 $0x7;
	[smem:$0x7FF] =	sst s5;
	s3 =	smul.u32 $0x140000, s2  }
0x8: {  	s7 =	sshll.u32 s2, $0x4;
	s8 =	ssub.s32 $0x2, s2;
	s2 =	smul.u32 $0x27100, s2  }
0x9: {  	s30 =	sadd.s32 $0x200, s0;
	s7 =	sor.u32 s10, s7;
	s10 =	smul.u32 $0x50000, s10  }
0xa: {  	_ =	strace $0x80000047;
	[dreg:$0xb] =	wrdreg s30;
	s7 =	smul.u32 $0x2710, s7  }
0xb: {  	s11 =	sshrl.u32 s8, $0x1;
	s3 =	sadd.s32 s6, s3;
	s25 =	sshrl.u32 s10, $0x2  }
0xc: {  	s2 =	sadd.s32 s20, s2;
	s7 =	sshrl.u32 s7, $0x3;
	s1 =	sadd.s32 s25, s31  }
0xd: {  	s3 =	sshrl.u32 s3, $0x3;
	s12 =	sadd.s32 s30, s7;
	[dreg:$0x17] =	wrdreg s1  }
0xe: {  	s0 =	sadd.s32 s3, s0;
	s14 =	sadd.s32 s26, s7;
	[dreg:$0xc] =	wrdreg s12  }
0xf: {  	s3 =	ssub.s32 s8, s11;
	s0 =	sadd.s32 $0xA000, s0;
	[dreg:$0xd] =	wrdreg s14  }
0x10: {  	s6 =	simm.s32 $0x0;
	s3 =	smax.u32 s3, $0x1;
	[dreg:$0x16] =	wrdreg s0  }
0x11: {  	s13 =	sadd.s32 $0xA, s7;
	s25 =	sadd.s32 $0xF000, s1;
	[dreg:$0x18] =	wrdreg s3  }
0x12: {  	s29 =	sadd.s32 $0x230, s2;
	s15 =	sadd.s32 s30, s13;
	[dreg:$0x1f] =	wrdreg s25  }
0x13: {  	s9 =	sadd.s32 $0x14, s7;
	s16 =	sadd.s32 s26, s13;
	[dreg:$0xe] =	wrdreg s15  }
0x14: {  	s11 =	sadd.s32 $0x1E0, s2;
	s17 =	sadd.s32 s30, s9;
	[dreg:$0xf] =	wrdreg s16  }
0x15: {  	s19 =	sadd.s32 $0x1E, s7;
	s18 =	sadd.s32 s26, s9;
	[dreg:$0x10] =	wrdreg s17  }
0x16: {  	s8 =	simm.s32 $0x300;
	s21 =	sadd.s32 s30, s19;
	[dreg:$0x11] =	wrdreg s18  }
0x17: {  	s7 =	sadd.s32 $0x4D8, s7;
	s22 =	sadd.s32 s26, s19;
	[dreg:$0x12] =	wrdreg s21  }
0x18: {  	s23 =	sadd.s32 s30, s7;
	s24 =	sadd.s32 s26, s7;
	[dreg:$0x13] =	wrdreg s22  }
0x19: {  	s9 =	sshrl.u32 s29, $0x3;
	s12 =	sshrl.u32 s11, $0x3;
	[dreg:$0x14] =	wrdreg s23  }
0x1a: {  	s14 =	sadd.s32 $0x190, s2;
	s19 =	sadd.s32 $0x5000, s1;
	[dreg:$0x15] =	wrdreg s24  }
0x1b: {  	s29 =	sadd.s32 $0x11800, s1;
	s3 =	simm.s32 $0x280;
	[dreg:$0x1a] =	wrdreg s19  }
0x1c: {  	s7 =	simm.s32 $0x100;
	s10 =	sadd.s32 s9, s26;
	[smem:$0x7FD] =	sst s29  }
0x1d: {  	s11 =	simm.s32 $0x9;
	s0 =	sadd.s32 s9, s30;
	[dreg:$0x5] =	wrdreg s10  }
0x1e: {  	s25 =	simm.s32 $0x8;
	s13 =	sadd.s32 s12, s26;
	[dreg:$0x6] =	wrdreg s0  }
0x1f: {  	s15 =	sadd.s32 s12, s30;
	s17 =	sadd.s32 $0x2800, s1;
	[dreg:$0x7] =	wrdreg s13  }
0x20: {  	s16 =	sshrl.u32 s14, $0x3;
	s21 =	sadd.s32 $0x7800, s1;
	[dreg:$0x19] =	wrdreg s17  }
0x21: {  	s22 =	sadd.s32 $0xA000, s1;
	s23 =	sadd.s32 $0xC800, s1;
	[dreg:$0x8] =	wrdreg s15  }
0x22: {  	s24 =	sadd.s32 $0x140, s2;
	s1 =	simm.s32 $0x80;
	[dreg:$0x1b] =	wrdreg s21  }
0x23: {  	s9 =	simm.s32 $0x180;
	s14 =	simm.s32 $0x380;
	[dreg:$0x1c] =	wrdreg s22  }
0x24: {  	s12 =	simm.s32 $0x50;
	s19 =	simm.s32 $0x1;
	[dreg:$0x1d] =	wrdreg s23  }
0x25: {  	s18 =	sadd.s32 s16, s26;
	s20 =	sadd.s32 s16, s30;
	[dreg:$0x1e] =	wrdreg s24  }
0x26: {  	s0 =	simm.s32 $0x200;
	s17 =	simm.s32 $0x400;
	s21 =	simm.s32 $0xD  }
0x27: {  	s13 =	simm.s32 $0xA;
	s15 =	simm.s32 $0x1;
	s16 =	simm.s32 $0xB  }
0x28: {  	s22 =	simm.s32 $0x2;
	s23 =	simm.s32 $0x3;
	[dreg:$0x9] =	wrdreg s18  }
0x29: {  	v0 =	vimm.f32 $0.0e+00;
	s24 =	simm.s32 $0x5;
	[dreg:$0xa] =	wrdreg s20;
	s20 =	simm.s32 $0xC  }
.LBB2_1:
0x2a: {  	[smem:$0x7FC] =	sst s6  }
0x2b: {  	s2 =	rddreg [dreg:$0xc]  }
0x2c: {  	[tilespmem:s5], [sflag:$0x9] =	stream.linear.gather [hbm4b:s2+s5], $0x50, $0x38;
	[tilespmem:$0x1E400] =	vst v63  }
0x2d: {  	s10 =	rddreg [dreg:$0xd]  }
0x2e: {  	[tilespmem:s0], [sflag:$0x9] =	stream.linear.gather [hbm4b:s10+s5], $0x50, $0x38;
	[tilespmem:$0x1E400] =	vst v63  }
0x2f: {  	s18 =	rddreg [dreg:$0xe]  }
0x30: {  	[tilespmem:s1], [sflag:$0xA] =	stream.linear.gather [hbm4b:s18+s5], $0x50, $0x38;
	[tilespmem:$0x1E400] =	vst v63  }
0x31: {  	s29 =	rddreg [dreg:$0xf]  }
0x32: {  	[tilespmem:s3], [sflag:$0xA] =	stream.linear.gather [hbm4b:s29+s5], $0x50, $0x38;
	[tilespmem:$0x1E400] =	vst v63  }
0x33: {  	s0 =	rddreg [dreg:$0x10]  }
0x34: {  	[tilespmem:s7], [sflag:$0xB] =	stream.linear.gather [hbm4b:s0+s5], $0x50, $0x38;
	[tilespmem:$0x1E400] =	vst v63  }
0x35: {  	s6 =	rddreg [dreg:$0x11]  }
0x36: {  	[tilespmem:s8], [sflag:$0xB] =	stream.linear.gather [hbm4b:s6+s5], $0x50, $0x38;
	[tilespmem:$0x1E400] =	vst v63  }
0x37: {  	s10 =	rddreg [dreg:$0x12]  }
0x38: {  	[tilespmem:s9], [sflag:$0xC] =	stream.linear.gather [hbm4b:s10+s5], $0x50, $0x38;
	[tilespmem:$0x1E400] =	vst v63  }
0x39: {  	s18 =	rddreg [dreg:$0x13];
	s29 =	sand.u32 $0xFE00, s5  }
0x3a: {  	[tilespmem:s14], [sflag:$0xC] =	stream.linear.gather [hbm4b:s18+s5], $0x50, $0x38;
	[tilespmem:$0x1E400] =	vst v63  }
0x3b: {  	s10 =	sand.u32 $0x70, s5;
	s18 =	sshrl.u32 s29, $0x2  }
0x3c: {  	s2 =	simm.s32 $0x40;
	s18 =	sor.u32 s10, s18;
	s10 =	simm.s32 $0x0  }
.LBB2_2:
0x3d: {  	p0 =	sne.s32 s2, $0x9FC0  }
0x3e: {  	[tilespmem:s18+$0x400] =	vst v0;
	s10 =	sadd.s32 $0x10, s10;
	s18 =	smov.u32 s2;
	s2 =	sadd.s32 $0x40, s2  }
.Ltmp0:
0x3f: {  	(pc) =	sbr.rel @p0 .LBB2_2-.Ltmp0, $4  }
0x40: {  	_ = 	snop  }
0x41: {  	s18 =	sand.u32 $0xFE00, s18  }
0x42: {  	s6 =	sand.u32 $0x70, s10;
	s18 =	sshrl.u32 s18, $0x2  }
0x43: {  	s18 =	sor.u32 s6, s18  }
0x44: {  	[tilespmem:s18+$0x400] =	vst v0;
	s2 =	rddreg [dreg:$0x17]  }
0x45: {  	[spmem:s2] =	stream.linear.scatter [tilespmem:s17], [sflag:$0xD], $0x2800, $0x38;
	[tilespmem:$0x1E400] =	vst v63  }
0x46: {  	_ =	swait.ge [sflag:s21], $0x2800  }
0x47: {  	[sflag:s21] =	ssyncset.done $0x0  }
0x48: {  	s10 =	rddreg [dreg:$0x19];
	[sflag:s21] =	ssyncadd.s32 $0xFFFFD800  }
0x49: {  	[spmem:s10] =	stream.linear.scatter [tilespmem:s17], [sflag:$0xD], $0x2800, $0x38;
	[tilespmem:$0x1E400] =	vst v63  }
0x4a: {  	_ =	swait.ge [sflag:s21], $0x2800  }
0x4b: {  	[sflag:s21] =	ssyncset.done $0x0  }
0x4c: {  	s18 =	rddreg [dreg:$0x1a];
	[sflag:s21] =	ssyncadd.s32 $0xFFFFD800  }
0x4d: {  	[spmem:s18] =	stream.linear.scatter [tilespmem:s17], [sflag:$0xD], $0x2800, $0x38;
	[tilespmem:$0x1E400] =	vst v63  }
0x4e: {  	_ =	swait.ge [sflag:s21], $0x2800  }
0x4f: {  	[sflag:s21] =	ssyncset.done $0x0  }
0x50: {  	s29 =	rddreg [dreg:$0x1b];
	[sflag:s21] =	ssyncadd.s32 $0xFFFFD800  }
0x51: {  	[spmem:s29] =	stream.linear.scatter [tilespmem:s17], [sflag:$0xD], $0x2800, $0x38;
	[tilespmem:$0x1E400] =	vst v63  }
0x52: {  	_ =	swait.ge [sflag:s21], $0x2800  }
0x53: {  	[sflag:s21] =	ssyncset.done $0x0  }
0x54: {  	s0 =	rddreg [dreg:$0x1c];
	[sflag:s21] =	ssyncadd.s32 $0xFFFFD800  }
0x55: {  	[spmem:s0] =	stream.linear.scatter [tilespmem:s17], [sflag:$0xD], $0x2800, $0x38;
	[tilespmem:$0x1E400] =	vst v63  }
0x56: {  	_ =	swait.ge [sflag:s21], $0x2800  }
0x57: {  	[sflag:s21] =	ssyncset.done $0x0  }
0x58: {  	s6 =	rddreg [dreg:$0x1d];
	[sflag:s21] =	ssyncadd.s32 $0xFFFFD800  }
0x59: {  	[spmem:s6] =	stream.linear.scatter [tilespmem:s17], [sflag:$0xD], $0x2800, $0x38;
	[tilespmem:$0x1E400] =	vst v63  }
0x5a: {  	_ =	swait.ge [sflag:s21], $0x2800  }
0x5b: {  	[sflag:s21] =	ssyncset.done $0x0  }
0x5c: {  	s10 =	rddreg [dreg:$0x1f];
	[sflag:s21] =	ssyncadd.s32 $0xFFFFD800  }
0x5d: {  	[spmem:s10] =	stream.linear.scatter [tilespmem:s17], [sflag:$0xD], $0x2800, $0x38;
	[tilespmem:$0x1E400] =	vst v63  }
0x5e: {  	_ =	swait.ge [sflag:s21], $0x2800  }
0x5f: {  	s18 =	sld [smem:$0x7FD]  }
0x60: {  	[sflag:s21] =	ssyncset.done $0x0  }
0x61: {  	[sflag:s21] =	ssyncadd.s32 $0xFFFFD800  }
0x62: {  	[spmem:s18] =	stream.linear.scatter [tilespmem:s17], [sflag:$0xD], $0x2800, $0x38;
	[tilespmem:$0x1E400] =	vst v63  }
0x63: {  	_ =	swait.ge [sflag:s21], $0x2800  }
0x64: {  	[sflag:s21] =	ssyncset.done $0x0  }
0x65: {  	[sflag:s21] =	ssyncadd.s32 $0xFFFFD800  }
0x66: {  	_ =	swait.ge [sflag:s11], $0x50  }
0x67: {  	[sflag:s11] =	ssyncset.done $0x0  }
0x68: {  	[sflag:s11] =	ssyncadd.s32 $0xFFFFFFB0  }
0x69: {  	_ =	swait.ge [sflag:s11], $0x50  }
0x6a: {  	[sflag:s11] =	ssyncset.done $0x0  }
0x6b: {  	s21 =	simm.s32 $0x0;
	[sflag:s11] =	ssyncadd.s32 $0xFFFFFFB0  }
0x6c: {  	[tilespmem:s17], [sflag:$0x1] =	stream.indirect.gather [hbm4b:s4+s12], $0x80, s21, s12, $0xb8;
	[tilespmem:$0x1E400] =	vst v63  }
0x6d: {  	[bflag:$0x0] =	sbarrier.arrive $0xFFFF  }
0x6e: {  	_ =	swait.ge [sflag:s13], $0x50  }
0x6f: {  	[sflag:s13] =	ssyncset.done $0x0  }
0x70: {  	[sflag:s13] =	ssyncadd.s32 $0xFFFFFFB0  }
0x71: {  	_ =	swait.ge [sflag:s13], $0x50  }
0x72: {  	[sflag:s13] =	ssyncset.done $0x0  }
0x73: {  	s21 =	simm.s32 $0x2C00;
	[sflag:s13] =	ssyncadd.s32 $0xFFFFFFB0  }
0x74: {  	[tilespmem:s21], [sflag:$0x2] =	stream.indirect.gather [hbm4b:s4+s12], $0x80, s1, s12, $0xb8;
	[tilespmem:$0x1E400] =	vst v63  }
0x75: {  	_ =	swait.ge [sflag:s15], $0x2800  }
0x76: {  	[sflag:s15] =	ssyncset.done $0x0  }
0x77: {  	s18 =	simm.s32 $0x200;
	[sflag:s15] =	ssyncadd.s32 $0xFFFFD800  }
0x78: {  	[spmem:s31] =	stream.indirect.scatter.add.f32 [tilespmem:s17], [sflag:$0x5], $0x80, s18, s12, $0xb8;
	[tilespmem:$0x1E400] =	vst v63  }
0x79: {  	_ =	swait.ge [sflag:s16], $0x50  }
0x7a: {  	[sflag:s16] =	ssyncset.done $0x0  }
0x7b: {  	[sflag:s16] =	ssyncadd.s32 $0xFFFFFFB0  }
0x7c: {  	_ =	swait.ge [sflag:s16], $0x50  }
0x7d: {  	[sflag:s16] =	ssyncset.done $0x0  }
0x7e: {  	s0 =	simm.s32 $0x5400;
	[sflag:s16] =	ssyncadd.s32 $0xFFFFFFB0  }
0x7f: {  	[tilespmem:s0], [sflag:$0x3] =	stream.indirect.gather [hbm4b:s4+s12], $0x80, s7, s12, $0xb8;
	[tilespmem:$0x1E400] =	vst v63  }
0x80: {  	_ =	swait.ge [sflag:s22], $0x2800  }
0x81: {  	[sflag:s22] =	ssyncset.done $0x0  }
0x82: {  	[sflag:s22] =	ssyncadd.s32 $0xFFFFD800  }
0x83: {  	[spmem:s31] =	stream.indirect.scatter.add.f32 [tilespmem:s21], [sflag:$0x6], $0x80, s3, s12, $0xb8;
	[tilespmem:$0x1E400] =	vst v63  }
0x84: {  	_ =	swait.ge [sflag:s20], $0x50  }
0x85: {  	[sflag:s20] =	ssyncset.done $0x0  }
0x86: {  	[sflag:s20] =	ssyncadd.s32 $0xFFFFFFB0  }
0x87: {  	_ =	swait.ge [sflag:s20], $0x50  }
0x88: {  	[sflag:s20] =	ssyncset.done $0x0  }
0x89: {  	s15 =	simm.s32 $0x7C00;
	[sflag:s20] =	ssyncadd.s32 $0xFFFFFFB0  }
0x8a: {  	[tilespmem:s15], [sflag:$0x4] =	stream.indirect.gather [hbm4b:s4+s12], $0x80, s9, s12, $0xb8;
	[tilespmem:$0x1E400] =	vst v63  }
0x8b: {  	_ =	swait.ge [sflag:s23], $0x2800  }
0x8c: {  	[sflag:s23] =	ssyncset.done $0x0  }
0x8d: {  	[sflag:s23] =	ssyncadd.s32 $0xFFFFD800  }
0x8e: {  	[spmem:s31] =	stream.indirect.scatter.add.f32 [tilespmem:s0], [sflag:$0x7], $0x80, s8, s12, $0xb8;
	[tilespmem:$0x1E400] =	vst v63  }
0x8f: {  	_ =	swait.ge [sflag:s24], $0x2800  }
0x90: {  	s10 =	rddreg [dreg:$0x1e]  }
0x91: {  	[sflag:s24] =	ssyncset.done $0x0;
	s29 =	sshrl.u32 s10, $0x3  }
0x92: {  	[sflag:s24] =	ssyncadd.s32 $0xFFFFD800;
	s6 =	sadd.s32 s30, s29  }
0x93: {  	[tilespmem:s5], [sflag:$0x9] =	stream.linear.gather [hbm4b:s6+s5], $0x50, $0x38;
	[tilespmem:$0x1E400] =	vst v63  }
0x94: {  	s2 =	sadd.s32 s26, s29  }
0x95: {  	[tilespmem:s18], [sflag:$0x9] =	stream.linear.gather [hbm4b:s2+s5], $0x50, $0x38;
	[tilespmem:$0x1E400] =	vst v63  }
0x96: {  	_ =	swait.ge [sflag:s11], $0x50  }
0x97: {  	[sflag:s11] =	ssyncset.done $0x0  }
0x98: {  	[sflag:s11] =	ssyncadd.s32 $0xFFFFFFB0  }
0x99: {  	_ =	swait.ge [sflag:s11], $0x50  }
0x9a: {  	[sflag:s11] =	ssyncset.done $0x0  }
0x9b: {  	s26 =	simm.s32 $0x4;
	[sflag:s11] =	ssyncadd.s32 $0xFFFFFFB0  }
0x9c: {  	[tilespmem:s17], [sflag:$0x1] =	stream.indirect.gather [hbm4b:s4+s12], $0x80, s5, s12, $0xb8;
	[tilespmem:$0x1E400] =	vst v63  }
0x9d: {  	_ =	swait.ge [sflag:s26], $0x2800  }
0x9e: {  	[sflag:s26] =	ssyncset.done $0x0  }
0x9f: {  	[sflag:s26] =	ssyncadd.s32 $0xFFFFD800  }
0xa0: {  	[spmem:s31] =	stream.indirect.scatter.add.f32 [tilespmem:s15], [sflag:$0x8], $0x80, s14, s12, $0xb8;
	[tilespmem:$0x1E400] =	vst v63  }
0xa1: {  	s15 =	simm.s32 $0x6  }
0xa2: {  	_ =	swait.ge [sflag:s15], $0x2800  }
0xa3: {  	s29 =	rddreg [dreg:$0xa];
	[sflag:s15] =	ssyncset.done $0x0  }
0xa4: {  	s30 =	rddreg [dreg:$0x9];
	[sflag:s15] =	ssyncadd.s32 $0xFFFFD800;
	s2 =	sadd.s32 $0x0, s29  }
0xa5: {  	[tilespmem:s1], [sflag:$0xA] =	stream.linear.gather [hbm4b:s2+s5], $0x50, $0x38;
	[tilespmem:$0x1E400] =	vst v63  }
0xa6: {  	s14 =	sadd.s32 $0x0, s30  }
0xa7: {  	[tilespmem:s3], [sflag:$0xA] =	stream.linear.gather [hbm4b:s14+s5], $0x50, $0x38;
	[tilespmem:$0x1E400] =	vst v63  }
0xa8: {  	_ =	swait.ge [sflag:s13], $0x50  }
0xa9: {  	[sflag:s13] =	ssyncset.done $0x0  }
0xaa: {  	[sflag:s13] =	ssyncadd.s32 $0xFFFFFFB0  }
0xab: {  	_ =	swait.ge [sflag:s13], $0x50  }
0xac: {  	[sflag:s13] =	ssyncset.done $0x0  }
0xad: {  	[sflag:s13] =	ssyncadd.s32 $0xFFFFFFB0  }
0xae: {  	[tilespmem:s21], [sflag:$0x2] =	stream.indirect.gather [hbm4b:s4+s12], $0x80, s1, s12, $0xb8;
	[tilespmem:$0x1E400] =	vst v63  }
0xaf: {  	_ =	swait.ge [sflag:s19], $0x2800  }
0xb0: {  	[sflag:s19] =	ssyncset.done $0x0  }
0xb1: {  	[sflag:s19] =	ssyncadd.s32 $0xFFFFD800  }
0xb2: {  	[spmem:s31] =	stream.indirect.scatter.add.f32 [tilespmem:s17], [sflag:$0x5], $0x80, s18, s12, $0xb8;
	[tilespmem:$0x1E400] =	vst v63  }
0xb3: {  	_ =	swait.ge [sflag:s28], $0x2800  }
0xb4: {  	s17 =	rddreg [dreg:$0x8];
	[sflag:s28] =	ssyncset.done $0x0  }
0xb5: {  	s18 =	rddreg [dreg:$0x7];
	[sflag:s28] =	ssyncadd.s32 $0xFFFFD800;
	s2 =	sadd.s32 $0x0, s17  }
0xb6: {  	[tilespmem:s7], [sflag:$0xB] =	stream.linear.gather [hbm4b:s2+s5], $0x50, $0x38;
	[tilespmem:$0x1E400] =	vst v63  }
0xb7: {  	s28 =	sadd.s32 $0x0, s18  }
0xb8: {  	[tilespmem:s8], [sflag:$0xB] =	stream.linear.gather [hbm4b:s28+s5], $0x50, $0x38;
	[tilespmem:$0x1E400] =	vst v63  }
0xb9: {  	_ =	swait.ge [sflag:s16], $0x50  }
0xba: {  	[sflag:s16] =	ssyncset.done $0x0  }
0xbb: {  	[sflag:s16] =	ssyncadd.s32 $0xFFFFFFB0  }
0xbc: {  	_ =	swait.ge [sflag:s16], $0x50  }
0xbd: {  	[sflag:s16] =	ssyncset.done $0x0  }
0xbe: {  	[sflag:s16] =	ssyncadd.s32 $0xFFFFFFB0  }
0xbf: {  	[tilespmem:s0], [sflag:$0x3] =	stream.indirect.gather [hbm4b:s4+s12], $0x80, s7, s12, $0xb8;
	[tilespmem:$0x1E400] =	vst v63  }
0xc0: {  	_ =	swait.ge [sflag:s22], $0x2800  }
0xc1: {  	s10 =	sadd.s32 $0x140, s10;
	s14 =	simm.s32 $0x180;
	[sflag:s22] =	ssyncset.done $0x0  }
0xc2: {  	s18 =	simm.s32 $0x28;
	s17 =	simm.s32 $0x380;
	[sflag:s22] =	ssyncadd.s32 $0xFFFFD800  }
0xc3: {  	[spmem:s31] =	stream.indirect.scatter.add.f32 [tilespmem:s21], [sflag:$0x6], $0x80, s3, s12, $0xb8;
	[tilespmem:$0x1E400] =	vst v63  }
0xc4: {  	s8 =	simm.s32 $0x100;
	s7 =	simm.s32 $0x280;
	_ =	swait.ge [sflag:s25], $0x2800  }
0xc5: {  	s21 =	simm.s32 $0x400;
	s29 =	rddreg [dreg:$0x6];
	[sflag:s25] =	ssyncset.done $0x0  }
0xc6: {  	s30 =	rddreg [dreg:$0x5];
	[sflag:s25] =	ssyncadd.s32 $0xFFFFD800;
	s2 =	sadd.s32 $0x0, s29  }
0xc7: {  	[tilespmem:s9], [sflag:$0xC] =	stream.linear.gather [hbm4b:s2+s5], $0x50, $0x38;
	[tilespmem:$0x1E400] =	vst v63  }
0xc8: {  	s3 =	simm.s32 $0x80;
	s2 =	sadd.s32 $0x0, s30;
	s9 =	simm.s32 $0x300  }
.LBB2_4:
0xc9: {  	[tilespmem:s17], [sflag:$0xC] =	stream.linear.gather [hbm4b:s2+s5], $0x50, $0x38;
	[tilespmem:$0x1E400] =	vst v63  }
0xca: {  	_ =	swait.ge [sflag:s20], $0x50  }
0xcb: {  	[sflag:s20] =	ssyncset.done $0x0  }
0xcc: {  	[sflag:s20] =	ssyncadd.s32 $0xFFFFFFB0  }
0xcd: {  	_ =	swait.ge [sflag:s20], $0x50  }
0xce: {  	[sflag:s20] =	ssyncset.done $0x0  }
0xcf: {  	s25 =	simm.s32 $0x7C00;
	[sflag:s20] =	ssyncadd.s32 $0xFFFFFFB0  }
0xd0: {  	[tilespmem:s25], [sflag:$0x4] =	stream.indirect.gather [hbm4b:s4+s12], $0x80, s14, s12, $0xb8;
	[tilespmem:$0x1E400] =	vst v63  }
0xd1: {  	_ =	swait.ge [sflag:s23], $0x2800  }
0xd2: {  	[sflag:s23] =	ssyncset.done $0x0  }
0xd3: {  	s0 =	simm.s32 $0x5400;
	[sflag:s23] =	ssyncadd.s32 $0xFFFFD800  }
0xd4: {  	[spmem:s31] =	stream.indirect.scatter.add.f32 [tilespmem:s0], [sflag:$0x7], $0x80, s9, s12, $0xb8;
	[tilespmem:$0x1E400] =	vst v63  }
0xd5: {  	_ =	swait.ge [sflag:s24], $0x2800  }
0xd6: {  	s6 =	sshrl.u32 s10, $0x3;
	[sflag:s24] =	ssyncset.done $0x0;
	s1 =	rddreg [dreg:$0xb]  }
0xd7: {  	[sflag:s24] =	ssyncadd.s32 $0xFFFFD800;
	s29 =	sadd.s32 s1, s6  }
0xd8: {  	[tilespmem:s5], [sflag:$0x9] =	stream.linear.gather [hbm4b:s29+s5], $0x50, $0x38;
	[tilespmem:$0x1E400] =	vst v63  }
0xd9: {  	s29 =	rddreg [dreg:$0x2]  }
0xda: {  	s28 =	simm.s32 $0x200;
	s6 =	sadd.s32 s29, s6  }
0xdb: {  	[tilespmem:s28], [sflag:$0x9] =	stream.linear.gather [hbm4b:s6+s5], $0x50, $0x38;
	[tilespmem:$0x1E400] =	vst v63  }
0xdc: {  	_ =	swait.ge [sflag:s11], $0x50  }
0xdd: {  	[sflag:s11] =	ssyncset.done $0x0  }
0xde: {  	[sflag:s11] =	ssyncadd.s32 $0xFFFFFFB0  }
0xdf: {  	_ =	swait.ge [sflag:s11], $0x50  }
0xe0: {  	[sflag:s11] =	ssyncset.done $0x0  }
0xe1: {  	[sflag:s11] =	ssyncadd.s32 $0xFFFFFFB0  }
0xe2: {  	[tilespmem:s21], [sflag:$0x1] =	stream.indirect.gather [hbm4b:s4+s12], $0x80, s5, s12, $0xb8;
	[tilespmem:$0x1E400] =	vst v63  }
0xe3: {  	_ =	swait.ge [sflag:s26], $0x2800  }
0xe4: {  	[sflag:s26] =	ssyncset.done $0x0  }
0xe5: {  	[sflag:s26] =	ssyncadd.s32 $0xFFFFD800  }
0xe6: {  	[spmem:s31] =	stream.indirect.scatter.add.f32 [tilespmem:s25], [sflag:$0x8], $0x80, s17, s12, $0xb8;
	[tilespmem:$0x1E400] =	vst v63  }
0xe7: {  	_ =	swait.ge [sflag:s15], $0x2800  }
0xe8: {  	s2 =	smov.u32 s18;
	s30 =	rddreg [dreg:$0xa];
	[sflag:s15] =	ssyncset.done $0x0  }
0xe9: {  	s1 =	rddreg [dreg:$0x9];
	[sflag:s15] =	ssyncadd.s32 $0xFFFFD800;
	s6 =	sadd.s32 s2, s30  }
0xea: {  	[tilespmem:s3], [sflag:$0xA] =	stream.linear.gather [hbm4b:s6+s5], $0x50, $0x38;
	[tilespmem:$0x1E400] =	vst v63  }
0xeb: {  	s30 =	sadd.s32 s2, s1  }
0xec: {  	[tilespmem:s7], [sflag:$0xA] =	stream.linear.gather [hbm4b:s30+s5], $0x50, $0x38;
	[tilespmem:$0x1E400] =	vst v63  }
0xed: {  	_ =	swait.ge [sflag:s13], $0x50  }
0xee: {  	[sflag:s13] =	ssyncset.done $0x0  }
0xef: {  	[sflag:s13] =	ssyncadd.s32 $0xFFFFFFB0  }
0xf0: {  	_ =	swait.ge [sflag:s13], $0x50  }
0xf1: {  	[sflag:s13] =	ssyncset.done $0x0  }
0xf2: {  	s30 =	simm.s32 $0x2C00;
	[sflag:s13] =	ssyncadd.s32 $0xFFFFFFB0  }
0xf3: {  	[tilespmem:s30], [sflag:$0x2] =	stream.indirect.gather [hbm4b:s4+s12], $0x80, s3, s12, $0xb8;
	[tilespmem:$0x1E400] =	vst v63  }
0xf4: {  	_ =	swait.ge [sflag:s19], $0x2800  }
0xf5: {  	[sflag:s19] =	ssyncset.done $0x0  }
0xf6: {  	[sflag:s19] =	ssyncadd.s32 $0xFFFFD800  }
0xf7: {  	[spmem:s31] =	stream.indirect.scatter.add.f32 [tilespmem:s21], [sflag:$0x5], $0x80, s28, s12, $0xb8;
	[tilespmem:$0x1E400] =	vst v63  }
0xf8: {  	s28 =	simm.s32 $0x7  }
0xf9: {  	_ =	swait.ge [sflag:s28], $0x2800  }
0xfa: {  	s6 =	rddreg [dreg:$0x8];
	[sflag:s28] =	ssyncset.done $0x0  }
0xfb: {  	s1 =	rddreg [dreg:$0x7];
	[sflag:s28] =	ssyncadd.s32 $0xFFFFD800;
	s6 =	sadd.s32 s2, s6  }
0xfc: {  	[tilespmem:s8], [sflag:$0xB] =	stream.linear.gather [hbm4b:s6+s5], $0x50, $0x38;
	[tilespmem:$0x1E400] =	vst v63  }
0xfd: {  	s29 =	sadd.s32 s2, s1  }
0xfe: {  	[tilespmem:s9], [sflag:$0xB] =	stream.linear.gather [hbm4b:s29+s5], $0x50, $0x38;
	[tilespmem:$0x1E400] =	vst v63  }
0xff: {  	_ =	swait.ge [sflag:s16], $0x50  }
0x100: {  	[sflag:s16] =	ssyncset.done $0x0  }
0x101: {  	[sflag:s16] =	ssyncadd.s32 $0xFFFFFFB0  }
0x102: {  	_ =	swait.ge [sflag:s16], $0x50  }
0x103: {  	[sflag:s16] =	ssyncset.done $0x0  }
0x104: {  	[sflag:s16] =	ssyncadd.s32 $0xFFFFFFB0  }
0x105: {  	[tilespmem:s0], [sflag:$0x3] =	stream.indirect.gather [hbm4b:s4+s12], $0x80, s8, s12, $0xb8;
	[tilespmem:$0x1E400] =	vst v63  }
0x106: {  	_ =	swait.ge [sflag:s22], $0x2800  }
0x107: {  	[sflag:s22] =	ssyncset.done $0x0  }
0x108: {  	p0 =	sne.s32 s18, $0x488;
	s25 =	simm.s32 $0x8;
	[sflag:s22] =	ssyncadd.s32 $0xFFFFD800  }
0x109: {  	[spmem:s31] =	stream.indirect.scatter.add.f32 [tilespmem:s30], [sflag:$0x6], $0x80, s7, s12, $0xb8;
	[tilespmem:$0x1E400] =	vst v63  }
.Ltmp1:
0x10a: {  	_ =	swait.ge [sflag:s25], $0x2800;
	(pc) =	sbr.rel @p0 .LBB2_4-.Ltmp1, $4  }
0x10b: {  	s18 =	sadd.s32 $0x28, s18;
	s10 =	sadd.s32 $0x140, s10;
	s0 =	rddreg [dreg:$0x6]  }
0x10c: {  	s1 =	simm.s32 $0x5400;
	s30 =	rddreg [dreg:$0x5];
	[sflag:s25] =	ssyncset.done $0x0  }
0x10d: {  	[sflag:s25] =	ssyncadd.s32 $0xFFFFD800;
	s6 =	sadd.s32 s2, s0;
	s2 =	sadd.s32 s2, s30  }
0x10e: {  	[tilespmem:s14], [sflag:$0xC] =	stream.linear.gather [hbm4b:s6+s5], $0x50, $0x38;
	[tilespmem:$0x1E400] =	vst v63  }
0x10f: {  	[tilespmem:s17], [sflag:$0xC] =	stream.linear.gather [hbm4b:s2+s5], $0x50, $0x38;
	[tilespmem:$0x1E400] =	vst v63  }
0x110: {  	_ =	swait.ge [sflag:s20], $0x50  }
0x111: {  	[sflag:s20] =	ssyncset.done $0x0  }
0x112: {  	[sflag:s20] =	ssyncadd.s32 $0xFFFFFFB0  }
0x113: {  	_ =	swait.ge [sflag:s20], $0x50  }
0x114: {  	[sflag:s20] =	ssyncset.done $0x0  }
0x115: {  	s3 =	simm.s32 $0x7C00;
	[sflag:s20] =	ssyncadd.s32 $0xFFFFFFB0  }
0x116: {  	[tilespmem:s3], [sflag:$0x4] =	stream.indirect.gather [hbm4b:s4+s12], $0x80, s14, s12, $0xb8;
	[tilespmem:$0x1E400] =	vst v63  }
0x117: {  	_ =	swait.ge [sflag:s23], $0x2800  }
0x118: {  	[sflag:s23] =	ssyncset.done $0x0  }
0x119: {  	[sflag:s23] =	ssyncadd.s32 $0xFFFFD800  }
0x11a: {  	[spmem:s31] =	stream.indirect.scatter.add.f32 [tilespmem:s1], [sflag:$0x7], $0x80, s9, s12, $0xb8;
	[tilespmem:$0x1E400] =	vst v63  }
0x11b: {  	_ =	swait.ge [sflag:s24], $0x2800  }
0x11c: {  	[sflag:s24] =	ssyncset.done $0x0  }
0x11d: {  	s14 =	rddreg [dreg:$0x14];
	[sflag:s24] =	ssyncadd.s32 $0xFFFFD800  }
0x11e: {  	[tilespmem:s5], [sflag:$0x9] =	stream.linear.gather [hbm4b:s14+s5], $0x50, $0x38;
	[tilespmem:$0x1E400] =	vst v63  }
0x11f: {  	s0 =	simm.s32 $0x200;
	s18 =	rddreg [dreg:$0x15]  }
0x120: {  	[tilespmem:s0], [sflag:$0x9] =	stream.linear.gather [hbm4b:s18+s5], $0x50, $0x38;
	[tilespmem:$0x1E400] =	vst v63  }
0x121: {  	_ =	swait.ge [sflag:s11], $0x50  }
0x122: {  	[sflag:s11] =	ssyncset.done $0x0  }
0x123: {  	[sflag:s11] =	ssyncadd.s32 $0xFFFFFFB0  }
0x124: {  	_ =	swait.ge [sflag:s11], $0x50  }
0x125: {  	[sflag:s11] =	ssyncset.done $0x0  }
0x126: {  	[sflag:s11] =	ssyncadd.s32 $0xFFFFFFB0  }
0x127: {  	[tilespmem:s21], [sflag:$0x1] =	stream.indirect.gather [hbm4b:s4+s12], $0x80, s5, s12, $0xb8;
	[tilespmem:$0x1E400] =	vst v63  }
0x128: {  	_ =	swait.ge [sflag:s26], $0x2800  }
0x129: {  	[sflag:s26] =	ssyncset.done $0x0  }
0x12a: {  	[sflag:s26] =	ssyncadd.s32 $0xFFFFD800  }
0x12b: {  	[spmem:s31] =	stream.indirect.scatter.add.f32 [tilespmem:s3], [sflag:$0x8], $0x80, s17, s12, $0xb8;
	[tilespmem:$0x1E400] =	vst v63  }
0x12c: {  	_ =	swait.ge [sflag:s15], $0x2800  }
0x12d: {  	[sflag:s15] =	ssyncset.done $0x0  }
0x12e: {  	[sflag:s15] =	ssyncadd.s32 $0xFFFFD800  }
0x12f: {  	_ =	swait.ge [sflag:s19], $0x2800  }
0x130: {  	[sflag:s19] =	ssyncset.done $0x0  }
0x131: {  	[sflag:s19] =	ssyncadd.s32 $0xFFFFD800  }
0x132: {  	[spmem:s31] =	stream.indirect.scatter.add.f32 [tilespmem:s21], [sflag:$0x5], $0x80, s0, s12, $0xb8;
	[tilespmem:$0x1E400] =	vst v63  }
0x133: {  	_ =	swait.ge [sflag:s28], $0x2800  }
0x134: {  	[sflag:s28] =	ssyncset.done $0x0  }
0x135: {  	[sflag:s28] =	ssyncadd.s32 $0xFFFFD800  }
0x136: {  	_ =	swait.ge [sflag:s25], $0x2800  }
0x137: {  	[sflag:s25] =	ssyncset.done $0x0  }
0x138: {  	[sflag:s25] =	ssyncadd.s32 $0xFFFFD800  }
0x139: {  	_ =	swait.ge [sflag:s24], $0x2800  }
0x13a: {  	[sflag:s24] =	ssyncset.done $0x0  }
0x13b: {  	[sflag:s24] =	ssyncadd.s32 $0xFFFFD800  }
0x13c: {  	s21 =	stileid.u32;
	[bflag:$0x0] =	sbarrier.arrive $0xFFFF  }
0x13d: {  	s2 =	sshll.u32 s21, $0x6;
	s21 =	simm.s32 $0xD;
	s6 =	rddreg [dreg:$0x17]  }
0x13e: {  	s2 =	sor.u32 $0x1C0D, s2;
	s10 =	rddreg [dreg:$0x16];
	s6 =	sshrl.u32 s6, $0x3  }
0x13f: {  	[hbm:s10], [sflag:s2] =	dma.local [spmem:s6], $0x2800  }
0x140: {  	_ =	swait.ge [sflag:s21], $0x2800  }
0x141: {  	s26 =	sld [smem:$0x7FC];
	_ =	sdelay $0x2  }
0x142: {  	s29 =	rddreg [dreg:$0x18];
	s6 =	sadd.s32 $0x1, s26  }
0x143: {  	p0 =	sne.s32 s6, s29  }
.Ltmp2:
0x144: {  	s7 =	simm.s32 $0x100;
	(pc) =	sbr.rel @p0 .LBB2_1-.Ltmp2, $4  }
0x145: {  	s8 =	simm.s32 $0x300;
	s1 =	simm.s32 $0x80;
	s9 =	simm.s32 $0x180  }
0x146: {  	s14 =	simm.s32 $0x380;
	s3 =	simm.s32 $0x280;
	[sflag:s21] =	ssyncset.done $0x0  }
0x147: {  	s17 =	simm.s32 $0x400;
	s30 =	rddreg [dreg:$0xb];
	[sflag:s21] =	ssyncadd.s32 $0xFFFFD800  }
0x148: {  	s15 =	simm.s32 $0x1;
	s0 =	simm.s32 $0x200;
	s26 =	rddreg [dreg:$0x2]  }
0x149: {  	_ =	sfence.sel $0x180000  }
0x14a: {  	[bflag:$0x0] =	sbarrier.arrive $0xFFFF  }
0x14b: {  	_ =	strace $0x90000047  }
0x14c: {  	s0 =	stileid.u32;
	[bflag:$0x2] =	sbarrier.arrive $0xFFFF  }
0x14d: {  	p0 =	sne.s32 s0, $0x0;
	s0 =	rddreg [dreg:$0x4]  }
0x14e: {  	s0 =	sadd.s32 @!p0 $0x100000, s0  }
0x14f: {  	[sflag:s0] =	ssyncadd.tile.s32 @!p0 $0x1;
	_ =	shalt  }
.Lfunc_end2:
_tile_overlayer_lowered:
.L_overlay_start_2:
0x150: {  	(tag) =	ssettag $0x2  }
0x151: {  	s0 =	rddreg [dreg:$0x0];
	s2 =	stileid.u32  }
0x152: {  	s1 =	rddreg [dreg:$0x1];
	p0 =	sne.s32 s2, $0x0  }
0x153: {  	s3 =	rddreg [dreg:$0x2];
	[bflag:$0x3] =	sbarrier.arrive $0xFFFF;
	s2 =	simm.s32 @!p0 $0x1C0D  }
0x154: {  	[timem:s3], [sflag:s2] =	dma.local @!p0 [hbm:s0], s1  }
0x155: {  	s0 =	simm.s32 @!p0 $0xD  }
0x156: {  	_ =	swait.ge @!p0 [sflag:s0], s1  }
0x157: {  	s1 =	ssub.s32 @!p0 $0x0, s1;
	[sflag:s0] =	ssyncset.done @!p0 $0x0  }
0x158: {  	[sflag:s0] =	ssyncadd.s32 @!p0 s1  }
0x159: {  	[bflag:$0x3] =	sbarrier.arrive $0xFFFF  }
0x15a: {  	_ =	shalt  }

</sc_bundles>
